<compile_context>
chip_gen: v7x
topology: tpu7x:2x2x1
jax: 0.10.2.dev20260603
libtpu: 0.0.44.dev20260713+nightly
codegen_flags: <defaults>
</compile_context>

<pallas_src>
import functools

import jax
import jax.numpy as jnp
from jax import lax
from jax.experimental import pallas as pl
from jax.experimental.pallas import tpu as pltpu
from jax.experimental.pallas import tpu_sc as plsc


def _dpdp_body(lam_ref, f_ref, c_ref, beta_ref, gamma_ref, pc_ref, a_vm,
               gm_ref):
    f = f_ref[:]
    c = c_ref[:]
    T = f.shape[0]
    K = c.shape[0]
    lam = lam_ref[0]

    fn2 = jnp.sum(f * f, axis=1, keepdims=True)
    cn2 = jnp.sum(c * c, axis=1, keepdims=True).T
    g = jax.lax.dot_general(
        f, c, (((1,), (1,)), ((), ())),
        preferred_element_type=jnp.float32,
        precision=jax.lax.Precision.HIGHEST,
    )
    d2 = jnp.maximum(fn2 + cn2 - 2.0 * g, 0.0)

    mu = jnp.sum(d2) / jnp.float32(T * K)
    x = d2 - mu
    sh = 1
    while sh < T:
        x = x + jnp.concatenate([jnp.zeros((sh, K), jnp.float32), x[:-sh]], axis=0)
        sh *= 2
    pc_ref[:] = x

    H = 8
    pc_all = pc_ref[:]
    for i in range(1, H):
        shifted = jnp.concatenate(
            [jnp.zeros((i, K), jnp.float32), pc_all[:-i]], axis=0)
        gcol = jnp.min(pc_all - shifted, axis=1, keepdims=True)
        gm_ref[:, pl.ds(i - 1, 1)] = gcol

    def block_body(b, M):
        s = pl.multiple_of(b * H, H)
        rows = pc_ref[pl.ds(s, H), :]
        vk = jnp.min(rows + M, axis=1, keepdims=True)
        gblk = gm_ref[pl.ds(s, H), :]
        a_blk = []
        for d in range(1, H + 1):
            cand = jnp.min(vk[d - 1:d, :])
            for i in range(1, d):
                g = jnp.min(gblk[d - 1:d, i - 1:i])
                cand = jnp.minimum(cand, a_blk[d - i - 1] + g)
            a_t = cand + lam
            a_blk.append(a_t)
            a_vm[pl.ds(s + d - 1, 1), :] = jnp.reshape(a_t, (1, 1))
        arows = a_vm[pl.ds(s, H), :]
        return jnp.minimum(M, jnp.min(arows - rows, axis=0, keepdims=True))

    jax.lax.fori_loop(0, T // H, block_body,
                      jnp.zeros((1, K), jnp.float32), unroll=False)

    pc = pc_ref[:]
    avec = a_vm[:]
    qfull = avec - pc
    q = jnp.concatenate([jnp.zeros((1, K), jnp.float32), qfull[:-1]], axis=0)
    mv = q
    ji = jax.lax.broadcasted_iota(jnp.int32, (T, K), 0)
    inf = jnp.float32(jnp.inf)
    sh = 1
    while sh < T:
        pv = jnp.concatenate([jnp.full((sh, K), inf, jnp.float32), mv[:-sh]], axis=0)
        pj = jnp.concatenate([jnp.zeros((sh, K), jnp.int32), ji[:-sh]], axis=0)
        take = pv <= mv
        mv = jnp.where(take, pv, mv)
        ji = jnp.where(take, pj, ji)
        sh *= 2
    r = pc + mv
    rmin = jnp.min(r, axis=1, keepdims=True)
    kiota = jax.lax.broadcasted_iota(jnp.int32, (1, K), 1)
    gam = jnp.min(jnp.where(r == rmin, kiota, K), axis=1, keepdims=True)
    bet = jnp.min(jnp.where(kiota == gam, ji, jnp.int32(2**30)),
                  axis=1, keepdims=True)
    beta_ref[:] = bet
    gamma_ref[:] = gam


def _dpdp_beta_gamma(features, codebook, lam_arr):
    T, _ = features.shape
    K = codebook.shape[0]
    return pl.pallas_call(
        _dpdp_body,
        out_shape=[
            jax.ShapeDtypeStruct((T, 1), jnp.int32),
            jax.ShapeDtypeStruct((T, 1), jnp.int32),
        ],
        in_specs=[
            pl.BlockSpec(memory_space=pltpu.SMEM),
            pl.BlockSpec(memory_space=pltpu.VMEM),
            pl.BlockSpec(memory_space=pltpu.VMEM),
        ],
        out_specs=[
            pl.BlockSpec(memory_space=pltpu.VMEM),
            pl.BlockSpec(memory_space=pltpu.VMEM),
        ],
        scratch_shapes=[
            pltpu.VMEM((T, K), jnp.float32),
            pltpu.VMEM((T, 1), jnp.float32),
            pltpu.VMEM((T, 8), jnp.float32),
        ],
    )(lam_arr, features, codebook)


def _sc_backtrace_gather(T, K, D):
    tpw = T // 16
    mesh = plsc.VectorSubcoreMesh(core_axis_name="c", subcore_axis_name="s")

    @functools.partial(
        pl.kernel,
        mesh=mesh,
        out_type=[
            jax.ShapeDtypeStruct((T,), jnp.int32),
            jax.ShapeDtypeStruct((T, D), jnp.float32),
        ],
        scratch_types=[
            pltpu.VMEM((T + 16,), jnp.int32),
            pltpu.VMEM((T + 16,), jnp.int32),
            pltpu.VMEM((T,), jnp.int32),
            pltpu.VMEM((tpw,), jnp.int32),
            pltpu.VMEM((tpw, D), jnp.float32),
            pltpu.SemaphoreType.DMA,
        ],
    )
    def sc_fn(beta_hbm, gamma_hbm, cb_hbm, units_hbm, quant_hbm,
              beta_v, gamma_v, units_v, idx_v, rows_v, sem):
        cid = lax.axis_index("c")
        sid = lax.axis_index("s")
        liota = lax.broadcasted_iota(jnp.int32, (16,), 0)

        @pl.when((cid == 0) & (sid == 0))
        def _backtrace():
            pltpu.sync_copy(beta_hbm, beta_v.at[pl.ds(0, T)])
            pltpu.sync_copy(gamma_hbm, gamma_v.at[pl.ds(0, T)])

            b0 = beta_v[pl.ds(T - 1, 16)][0]
            g0 = gamma_v[pl.ds(T - 1, 16)][0]

            def pos_body(i, carry):
                b, g = carry
                p = T - 1 - i
                start = pl.multiple_of((p // 16) * 16, 16)
                vec = units_v[pl.ds(start, 16)]
                mask = (start + liota) == p
                units_v[pl.ds(start, 16)] = jnp.where(mask, g, vec)
                hit = p == b
                nxt = jnp.maximum(b - 1, 0)
                nb = beta_v[pl.ds(nxt, 16)][0]
                ng = gamma_v[pl.ds(nxt, 16)][0]
                b = jnp.where(hit, nb, b)
                g = jnp.where(hit, ng, g)
                return (b, g)

            lax.fori_loop(0, T, pos_body, (b0, g0))
            pltpu.sync_copy(units_v, units_hbm)

        @pl.when(cid == 0)
        def _gather():
            plsc.subcore_barrier()
            base = sid * tpw
            pltpu.sync_copy(units_hbm.at[pl.ds(base, tpw)], idx_v)
            pltpu.async_copy(cb_hbm.at[idx_v], rows_v, sem).wait()
            pltpu.sync_copy(rows_v, quant_hbm.at[pl.ds(base, tpw)])

    return sc_fn


def kernel(features, codebook, lmbda):
    T, _ = features.shape
    K, D = codebook.shape
    lam_arr = jnp.reshape(jnp.asarray(lmbda, jnp.float32), (1,))
    beta2d, gamma2d = _dpdp_beta_gamma(features, codebook, lam_arr)
    sc_fn = _sc_backtrace_gather(T, K, D)
    units, quantized_features = sc_fn(
        jnp.reshape(beta2d, (T,)), jnp.reshape(gamma2d, (T,)), codebook)
    indices = jnp.asarray(units, dtype=jnp.int64)
    quantized_features_st = features - jax.lax.stop_gradient(
        features - quantized_features)
    return (quantized_features_st, indices)

# --- scband reference (transcript-rebuilt; emitter-appended) ---
"""Pipeline reference for scband-dpdpquantizer-3659312136599 (READ-ONLY COPY).

The authoritative reference and input builder live on the scoring server;
editing this copy changes nothing except your own understanding.
"""

import jax, jax.numpy as jnp
import numpy as np


def _dpdp(features, codebook, lmbda):
    # Faithful translation of the torch dpdp function (num_neighbors=None path).
    f = features.astype(jnp.float32)
    c = codebook.astype(jnp.float32)
    T = f.shape[0]
    # squared euclidean distances (cdist(p=2)**2)
    d2 = jnp.maximum(
        (f * f).sum(1)[:, None] + (c * c).sum(1)[None, :]
        - 2.0 * jnp.matmul(f, c.T, precision=jax.lax.Precision.HIGHEST),
        0.0,
    ).astype(jnp.float32)
    durations = jnp.arange(1, T + 1, dtype=jnp.float32)
    lam = jnp.asarray(lmbda).astype(jnp.float32)
    duration_penalties = lam * (-durations + 1.0)
    idx_range = jnp.arange(T)
    alphas0 = jnp.zeros(T + 1, dtype=jnp.float32)
    betas0 = jnp.zeros(T + 1, dtype=jnp.int64)
    gammas0 = jnp.zeros(T + 1, dtype=jnp.int64)

    def fwd_body(t, state):
        alphas, betas, gammas = state
        rev = t - 1 - idx_range
        valid = rev >= 0
        rev_c = jnp.clip(rev, 0, T - 1)
        # cumsum of distances[0:t] flipped along time (zero-padded tail unused)
        arr = jnp.where(valid[:, None], d2[rev_c], 0.0)
        dist_slice_cumsum = jnp.cumsum(arr, axis=0)
        min_costs_without_dp = dist_slice_cumsum.min(axis=-1)
        min_costs_without_dp_indices = dist_slice_cumsum.argmin(axis=-1)
        costs_with_dp = jnp.where(
            valid,
            alphas[idx_range] + min_costs_without_dp[rev_c] + duration_penalties[rev_c],
            jnp.float32(jnp.inf),
        )
        j = jnp.argmin(costs_with_dp)
        alphas = alphas.at[t].set(costs_with_dp[j])
        betas = betas.at[t].set(j.astype(betas.dtype))
        gammas = gammas.at[t].set(min_costs_without_dp_indices[t - 1 - j].astype(gammas.dtype))
        return (alphas, betas, gammas)

    alphas, betas, gammas = jax.lax.fori_loop(1, T + 1, fwd_body, (alphas0, betas0, gammas0))

    units0 = jnp.zeros(T, dtype=jnp.int64)
    index0 = jnp.asarray(T, dtype=betas.dtype)

    def bwd_body(_, state):
        units, index = state
        active = index > 0
        fill_down_to_index = betas[index]
        fill_value = gammas[index]
        mask = active & (idx_range >= fill_down_to_index) & (idx_range < index)
        units = jnp.where(mask, fill_value, units)
        index = jnp.where(active, fill_down_to_index, index)
        return (units, index)

    units, _ = jax.lax.fori_loop(0, T, bwd_body, (units0, index0))
    return jnp.asarray(units, dtype=jnp.int64)


def setup_inputs(seed: int = 0) -> dict:
    key = jax.random.key(seed)
    k1, k2 = jax.random.split(key)
    features = jax.random.normal(k1, (512, 256), dtype=jnp.float32)
    codebook = jax.random.normal(k2, (1024, 256), dtype=jnp.float32)
    return {"features": features, "codebook": codebook, "lmbda": 10.0}


def reference(features, codebook, lmbda):
    indices = _dpdp(features, codebook, lmbda)
    quantized_features = jnp.take(codebook, indices, axis=0)
    # straight-through estimator
    quantized_features_st = features - jax.lax.stop_gradient(features - quantized_features)
    return (quantized_features_st, indices)

if __name__ == "__main__":
    import jax
    _d = setup_inputs()
    print(jax.jit(kernel)(*tuple(_d.values())))

</pallas_src>

<mosaic_0001>
#map = affine_map<(d0, d1) -> (0)>
#map1 = affine_map<(d0, d1) -> (0, 0)>
module attributes {stable_mosaic.version = 14 : i64} {
  func.func @sc_fn(%arg0: i32, %arg1: i32, %arg2: memref<512xi32, #tpu.memory_space<hbm>>, %arg3: memref<512xi32, #tpu.memory_space<hbm>>, %arg4: memref<1024x256xf32, #tpu.memory_space<hbm>>, %arg5: memref<512xi32, #tpu.memory_space<hbm>>, %arg6: memref<512x256xf32, #tpu.memory_space<hbm>>, %arg7: memref<528xi32, #tpu.memory_space<vmem>>, %arg8: memref<528xi32, #tpu.memory_space<vmem>>, %arg9: memref<512xi32, #tpu.memory_space<vmem>>, %arg10: memref<32xi32, #tpu.memory_space<vmem>>, %arg11: memref<32x256xf32, #tpu.memory_space<vmem>>, %arg12: memref<!tpu.dma_semaphore, #tpu.memory_space<semaphore_mem>>) attributes {dimension_semantics = [#tpu.dimension_semantics<core_parallel>, #tpu.dimension_semantics<subcore_parallel>], iteration_bounds = array<i64: 2, 16>, scalar_prefetch = 0 : i64, scratch_operands = 6 : i64, tpu.core_type = #tpu.core_type<sc_vector_subcore>, window_params = [{transform_indices = #map}, {transform_indices = #map}, {transform_indices = #map1}, {transform_indices = #map}, {transform_indices = #map1}]} {
    %iota3A = tpu.iota {dimensions = array<i32: 0>} : vector<16xi32>
    %eq3A = arith.constant 0 : i32
    %eq3A_0 = arith.cmpi eq, %arg0, %eq3A : i32
    %eq3A_1 = arith.constant 0 : i32
    %eq3A_2 = arith.cmpi eq, %arg1, %eq3A_1 : i32
    %and3A = arith.andi %eq3A_0, %eq3A_2 : i1
    %convert_element_type3A = arith.extui %and3A : i1 to i32
    %cond3A = arith.constant 0 : i32
    %cond3A_3 = arith.cmpi ne, %convert_element_type3A, %cond3A : i32
    scf.if %cond3A_3 {
      "tpu.region"() ({
        %run_scoped3A = tpu.sem_alloc : memref<!tpu.dma_semaphore, #tpu.memory_space<semaphore_mem>>
        %dma_start3A = arith.constant 0 : i32
        %dma_start3A_21 = tpu.memref_slice %arg7[%dma_start3A] : memref<528xi32, #tpu.memory_space<vmem>> -> memref<512xi32, #tpu.memory_space<vmem>>
        %dma_start3A_22 = arith.constant 0 : i32
        %dma_start3A_23 = tpu.memref_slice %arg7[%dma_start3A_22] : memref<528xi32, #tpu.memory_space<vmem>> -> memref<512xi32, #tpu.memory_space<vmem>>
        tpu.enqueue_dma source(%arg2 : memref<512xi32, #tpu.memory_space<hbm>>) target(%dma_start3A_23 : memref<512xi32, #tpu.memory_space<vmem>>) target_semaphore(%run_scoped3A : memref<!tpu.dma_semaphore, #tpu.memory_space<semaphore_mem>>)
        %dma_wait3A = arith.constant 0 : i32
        %dma_wait3A_24 = tpu.memref_slice %arg7[%dma_wait3A] : memref<528xi32, #tpu.memory_space<vmem>> -> memref<512xi32, #tpu.memory_space<vmem>>
        %dma_wait3A_25 = arith.constant 0 : i32
        %dma_wait3A_26 = tpu.memref_slice %arg7[%dma_wait3A_25] : memref<528xi32, #tpu.memory_space<vmem>> -> memref<512xi32, #tpu.memory_space<vmem>>
        tpu.wait_dma2 semaphore(%run_scoped3A : memref<!tpu.dma_semaphore, #tpu.memory_space<semaphore_mem>>) src(%arg2 : memref<512xi32, #tpu.memory_space<hbm>>) dst(%dma_wait3A_26 : memref<512xi32, #tpu.memory_space<vmem>>)
        tpu.yield
      }) : () -> ()
      "tpu.region"() ({
        %run_scoped3A = tpu.sem_alloc : memref<!tpu.dma_semaphore, #tpu.memory_space<semaphore_mem>>
        %dma_start3A = arith.constant 0 : i32
        %dma_start3A_21 = tpu.memref_slice %arg8[%dma_start3A] : memref<528xi32, #tpu.memory_space<vmem>> -> memref<512xi32, #tpu.memory_space<vmem>>
        %dma_start3A_22 = arith.constant 0 : i32
        %dma_start3A_23 = tpu.memref_slice %arg8[%dma_start3A_22] : memref<528xi32, #tpu.memory_space<vmem>> -> memref<512xi32, #tpu.memory_space<vmem>>
        tpu.enqueue_dma source(%arg3 : memref<512xi32, #tpu.memory_space<hbm>>) target(%dma_start3A_23 : memref<512xi32, #tpu.memory_space<vmem>>) target_semaphore(%run_scoped3A : memref<!tpu.dma_semaphore, #tpu.memory_space<semaphore_mem>>)
        %dma_wait3A = arith.constant 0 : i32
        %dma_wait3A_24 = tpu.memref_slice %arg8[%dma_wait3A] : memref<528xi32, #tpu.memory_space<vmem>> -> memref<512xi32, #tpu.memory_space<vmem>>
        %dma_wait3A_25 = arith.constant 0 : i32
        %dma_wait3A_26 = tpu.memref_slice %arg8[%dma_wait3A_25] : memref<528xi32, #tpu.memory_space<vmem>> -> memref<512xi32, #tpu.memory_space<vmem>>
        tpu.wait_dma2 semaphore(%run_scoped3A : memref<!tpu.dma_semaphore, #tpu.memory_space<semaphore_mem>>) src(%arg3 : memref<512xi32, #tpu.memory_space<hbm>>) dst(%dma_wait3A_26 : memref<512xi32, #tpu.memory_space<vmem>>)
        tpu.yield
      }) : () -> ()
      %get3A = arith.constant 511 : index
      %get3A_9 = tpu.vector_load %arg7[%get3A] {strides = array<i32>} : memref<528xi32, #tpu.memory_space<vmem>>, vector<16xi32>,
      %get3A_10 = vector.shape_cast %get3A_9 : vector<16xi32> to vector<16xi32>
      %slice3A = vector.extract_strided_slice %get3A_10 {offsets = [0], sizes = [1], strides = [1]} : vector<16xi32> to vector<1xi32>
      %squeeze3A = vector.extract %slice3A[0] : i32 from vector<1xi32>
      %get3A_11 = arith.constant 511 : index
      %get3A_12 = tpu.vector_load %arg8[%get3A_11] {strides = array<i32>} : memref<528xi32, #tpu.memory_space<vmem>>, vector<16xi32>,
      %get3A_13 = vector.shape_cast %get3A_12 : vector<16xi32> to vector<16xi32>
      %slice3A_14 = vector.extract_strided_slice %get3A_13 {offsets = [0], sizes = [1], strides = [1]} : vector<16xi32> to vector<1xi32>
      %squeeze3A_15 = vector.extract %slice3A_14[0] : i32 from vector<1xi32>
      %scan3A = arith.constant 0 : i32
      %scan3A_16 = arith.constant 512 : i32
      %scan3A_17 = arith.addi %scan3A, %scan3A_16 : i32
      %scan3A_18 = arith.constant 1 : i32
      %scan3A_19:2 = scf.for %scan3A_21 = %scan3A to %scan3A_17 step %scan3A_18 iter_args(%scan3A_22 = %squeeze3A, %scan3A_23 = %squeeze3A_15) -> (i32, i32)  : i32 {
        %sub3A = arith.constant 511 : i32
        %sub3A_24 = arith.subi %sub3A, %scan3A_21 : i32
        %jit3A = arith.constant 16 : i32
        %div3A = arith.divsi %sub3A_24, %jit3A : i32
        %sign3A = arith.constant 0 : i32
        %sign3A_25 = arith.cmpi sgt, %sub3A_24, %sign3A : i32
        %sign3A_26 = arith.extui %sign3A_25 : i1 to i32
        %sign3A_27 = arith.constant 0 : i32
        %sign3A_28 = arith.cmpi slt, %sub3A_24, %sign3A_27 : i32
        %sign3A_29 = arith.extui %sign3A_28 : i1 to i32
        %sign3A_30 = arith.subi %sign3A_26, %sign3A_29 : i32
        %sign3A_31 = arith.constant 0 : i32
        %sign3A_32 = arith.cmpi sgt, %jit3A, %sign3A_31 : i32
        %sign3A_33 = arith.extui %sign3A_32 : i1 to i32
        %sign3A_34 = arith.constant 0 : i32
        %sign3A_35 = arith.cmpi slt, %jit3A, %sign3A_34 : i32
        %sign3A_36 = arith.extui %sign3A_35 : i1 to i32
        %sign3A_37 = arith.subi %sign3A_33, %sign3A_36 : i32
        %ne3A = arith.cmpi ne, %sign3A_30, %sign3A_37 : i32
        %rem3A = arith.remsi %sub3A_24, %jit3A : i32
        %ne3A_38 = arith.constant 0 : i32
        %ne3A_39 = arith.cmpi ne, %rem3A, %ne3A_38 : i32
        %and3A_40 = arith.andi %ne3A, %ne3A_39 : i1
        %sub3A_41 = arith.constant 1 : i32
        %sub3A_42 = arith.subi %div3A, %sub3A_41 : i32
        %select_n3A = arith.select %and3A_40, %sub3A_42, %div3A : i32
        %mul3A = arith.constant 16 : i32
        %mul3A_43 = arith.muli %select_n3A, %mul3A : i32
        %multiple_of3A = tpu.assume_multiple %mul3A_43, 16 : i32
        %get3A_44 = arith.index_cast %multiple_of3A : i32 to index
        %get3A_45 = tpu.vector_load %arg9[%get3A_44] {strides = array<i32>} : memref<512xi32, #tpu.memory_space<vmem>>, vector<16xi32>,
        %get3A_46 = vector.shape_cast %get3A_45 : vector<16xi32> to vector<16xi32>
        %add3A = vector.broadcast %multiple_of3A : i32 to vector<16xi32>
        %add3A_47 = arith.addi %add3A, %iota3A : vector<16xi32>
        %eq3A_48 = vector.broadcast %sub3A_24 : i32 to vector<16xi32>
        %eq3A_49 = arith.cmpi eq, %add3A_47, %eq3A_48 : vector<16xi32>
        %broadcast_in_dim3A = vector.broadcast %scan3A_23 : i32 to vector<16xi32>
        %select_n3A_50 = arith.select %eq3A_49, %broadcast_in_dim3A, %get3A_46 : vector<16xi1>, vector<16xi32>
        %swap3A = arith.index_cast %multiple_of3A : i32 to index
        %swap3A_51 = tpu.vector_load %arg9[%swap3A] {strides = array<i32>} : memref<512xi32, #tpu.memory_space<vmem>>, vector<16xi32>,
        %swap3A_52 = vector.shape_cast %swap3A_51 : vector<16xi32> to vector<16xi32>
        %swap3A_53 = vector.shape_cast %select_n3A_50 : vector<16xi32> to vector<16xi32>
        tpu.vector_store %arg9[%swap3A], %swap3A_53 {strides = array<i32>} : memref<512xi32, #tpu.memory_space<vmem>>, vector<16xi32>,
        %eq3A_54 = arith.cmpi eq, %sub3A_24, %scan3A_22 : i32
        %sub3A_55 = arith.constant 1 : i32
        %sub3A_56 = arith.subi %scan3A_22, %sub3A_55 : i32
        %max3A = arith.constant 0 : i32
        %max3A_57 = arith.maxsi %sub3A_56, %max3A : i32
        %get3A_58 = arith.index_cast %max3A_57 : i32 to index
        %get3A_59 = tpu.vector_load %arg7[%get3A_58] {strides = array<i32>} : memref<528xi32, #tpu.memory_space<vmem>>, vector<16xi32>,
        %get3A_60 = vector.shape_cast %get3A_59 : vector<16xi32> to vector<16xi32>
        %slice3A_61 = vector.extract_strided_slice %get3A_60 {offsets = [0], sizes = [1], strides = [1]} : vector<16xi32> to vector<1xi32>
        %squeeze3A_62 = vector.extract %slice3A_61[0] : i32 from vector<1xi32>
        %get3A_63 = arith.index_cast %max3A_57 : i32 to index
        %get3A_64 = tpu.vector_load %arg8[%get3A_63] {strides = array<i32>} : memref<528xi32, #tpu.memory_space<vmem>>, vector<16xi32>,
        %get3A_65 = vector.shape_cast %get3A_64 : vector<16xi32> to vector<16xi32>
        %slice3A_66 = vector.extract_strided_slice %get3A_65 {offsets = [0], sizes = [1], strides = [1]} : vector<16xi32> to vector<1xi32>
        %squeeze3A_67 = vector.extract %slice3A_66[0] : i32 from vector<1xi32>
        %select_n3A_68 = arith.select %eq3A_54, %squeeze3A_62, %scan3A_22 : i32
        %select_n3A_69 = arith.select %eq3A_54, %squeeze3A_67, %scan3A_23 : i32
        scf.yield %select_n3A_68, %select_n3A_69 : i32, i32
      }
      %scan3A_20 = arith.constant 512 : i32
      "tpu.region"() ({
        %run_scoped3A = tpu.sem_alloc : memref<!tpu.dma_semaphore, #tpu.memory_space<semaphore_mem>>
        tpu.enqueue_dma source(%arg9 : memref<512xi32, #tpu.memory_space<vmem>>) target(%arg5 : memref<512xi32, #tpu.memory_space<hbm>>) target_semaphore(%run_scoped3A : memref<!tpu.dma_semaphore, #tpu.memory_space<semaphore_mem>>)
        tpu.wait_dma2 semaphore(%run_scoped3A : memref<!tpu.dma_semaphore, #tpu.memory_space<semaphore_mem>>) src(%arg9 : memref<512xi32, #tpu.memory_space<vmem>>) dst(%arg5 : memref<512xi32, #tpu.memory_space<hbm>>)
        tpu.yield
      }) : () -> ()
    } else {
    }
    %eq3A_4 = arith.constant 0 : i32
    %eq3A_5 = arith.cmpi eq, %arg0, %eq3A_4 : i32
    %convert_element_type3A_6 = arith.extui %eq3A_5 : i1 to i32
    %cond3A_7 = arith.constant 0 : i32
    %cond3A_8 = arith.cmpi ne, %convert_element_type3A_6, %cond3A_7 : i32
    scf.if %cond3A_8 {
      %barrier3A = arith.constant 0 : index
      tpu.barrier barrier_id(%barrier3A)
      %mul3A = arith.constant 32 : i32
      %mul3A_9 = arith.muli %arg1, %mul3A : i32
      "tpu.region"() ({
        %run_scoped3A = tpu.sem_alloc : memref<!tpu.dma_semaphore, #tpu.memory_space<semaphore_mem>>
        %dma_start3A_14 = tpu.memref_slice %arg5[%mul3A_9] : memref<512xi32, #tpu.memory_space<hbm>> -> memref<32xi32, #tpu.memory_space<hbm>>
        %dma_start3A_15 = tpu.memref_slice %arg5[%mul3A_9] : memref<512xi32, #tpu.memory_space<hbm>> -> memref<32xi32, #tpu.memory_space<hbm>>
        tpu.enqueue_dma source(%dma_start3A_15 : memref<32xi32, #tpu.memory_space<hbm>>) target(%arg10 : memref<32xi32, #tpu.memory_space<vmem>>) target_semaphore(%run_scoped3A : memref<!tpu.dma_semaphore, #tpu.memory_space<semaphore_mem>>)
        %dma_wait3A_16 = tpu.memref_slice %arg5[%mul3A_9] : memref<512xi32, #tpu.memory_space<hbm>> -> memref<32xi32, #tpu.memory_space<hbm>>
        %dma_wait3A_17 = tpu.memref_slice %arg5[%mul3A_9] : memref<512xi32, #tpu.memory_space<hbm>> -> memref<32xi32, #tpu.memory_space<hbm>>
        tpu.wait_dma2 semaphore(%run_scoped3A : memref<!tpu.dma_semaphore, #tpu.memory_space<semaphore_mem>>) src(%dma_wait3A_17 : memref<32xi32, #tpu.memory_space<hbm>>) dst(%arg10 : memref<32xi32, #tpu.memory_space<vmem>>)
        tpu.yield
      }) : () -> ()
      %dma_start3A = arith.constant 0 : i32
      %dma_start3A_10 = arith.constant 0 : i32
      %dma_start3A_11 = tpu.memref_slice %arg4[%dma_start3A, %dma_start3A_10] : memref<1024x256xf32, #tpu.memory_space<hbm>> -> memref<1024x256xf32, #tpu.memory_space<hbm>>
      tpu.enqueue_indirect_dma source(%dma_start3A_11 : memref<1024x256xf32, #tpu.memory_space<hbm>>) target(%arg11 : memref<32x256xf32, #tpu.memory_space<vmem>>) offsets(%arg10 : memref<32xi32, #tpu.memory_space<vmem>>) semaphore(%arg12 : memref<!tpu.dma_semaphore, #tpu.memory_space<semaphore_mem>>)
      %dma_wait3A = arith.constant 0 : i32
      %dma_wait3A_12 = arith.constant 0 : i32
      %dma_wait3A_13 = tpu.memref_slice %arg4[%dma_wait3A, %dma_wait3A_12] : memref<1024x256xf32, #tpu.memory_space<hbm>> -> memref<1024x256xf32, #tpu.memory_space<hbm>>
      tpu.wait_indirect_dma semaphore(%arg12 : memref<!tpu.dma_semaphore, #tpu.memory_space<semaphore_mem>>) src(%dma_wait3A_13 : memref<1024x256xf32, #tpu.memory_space<hbm>>) dst(%arg11 : memref<32x256xf32, #tpu.memory_space<vmem>>)
      "tpu.region"() ({
        %run_scoped3A = tpu.sem_alloc : memref<!tpu.dma_semaphore, #tpu.memory_space<semaphore_mem>>
        %dma_start3A_14 = arith.constant 0 : i32
        %dma_start3A_15 = tpu.memref_slice %arg6[%mul3A_9, %dma_start3A_14] : memref<512x256xf32, #tpu.memory_space<hbm>> -> memref<32x256xf32, #tpu.memory_space<hbm>>
        %dma_start3A_16 = arith.constant 0 : i32
        %dma_start3A_17 = tpu.memref_slice %arg6[%mul3A_9, %dma_start3A_16] : memref<512x256xf32, #tpu.memory_space<hbm>> -> memref<32x256xf32, #tpu.memory_space<hbm>>
        tpu.enqueue_dma source(%arg11 : memref<32x256xf32, #tpu.memory_space<vmem>>) target(%dma_start3A_17 : memref<32x256xf32, #tpu.memory_space<hbm>>) target_semaphore(%run_scoped3A : memref<!tpu.dma_semaphore, #tpu.memory_space<semaphore_mem>>)
        %dma_wait3A_18 = arith.constant 0 : i32
        %dma_wait3A_19 = tpu.memref_slice %arg6[%mul3A_9, %dma_wait3A_18] : memref<512x256xf32, #tpu.memory_space<hbm>> -> memref<32x256xf32, #tpu.memory_space<hbm>>
        %dma_wait3A_20 = arith.constant 0 : i32
        %dma_wait3A_21 = tpu.memref_slice %arg6[%mul3A_9, %dma_wait3A_20] : memref<512x256xf32, #tpu.memory_space<hbm>> -> memref<32x256xf32, #tpu.memory_space<hbm>>
        tpu.wait_dma2 semaphore(%run_scoped3A : memref<!tpu.dma_semaphore, #tpu.memory_space<semaphore_mem>>) src(%arg11 : memref<32x256xf32, #tpu.memory_space<vmem>>) dst(%dma_wait3A_21 : memref<32x256xf32, #tpu.memory_space<hbm>>)
        tpu.yield
      }) : () -> ()
    } else {
    }
    return
  }
}

module attributes {stable_mosaic.version = 14 : i64} {
  func.func @_dpdp_body(%arg0: memref<1xf32, #tpu.memory_space<smem>>, %arg1: memref<512x256xf32, #tpu.memory_space<vmem>>, %arg2: memref<1024x256xf32, #tpu.memory_space<vmem>>, %arg3: memref<512x1xi32, #tpu.memory_space<vmem>>, %arg4: memref<512x1xi32, #tpu.memory_space<vmem>>, %arg5: memref<512x1024xf32, #tpu.memory_space<vmem>>, %arg6: memref<512x1xf32, #tpu.memory_space<vmem>>, %arg7: memref<512x8xf32, #tpu.memory_space<vmem>>) attributes {dimension_semantics = [], scalar_prefetch = 0 : i64, scratch_operands = 3 : i64, tpu.core_type = #tpu.core_type<tc>} {
    %get3A = arith.constant 0 : index
    %get3A_0 = arith.constant 0 : index
    %get3A_1 = vector.load %arg1[%get3A, %get3A_0] : memref<512x256xf32, #tpu.memory_space<vmem>>, vector<512x256xf32>
    %get3A_2 = arith.constant 0 : index
    %get3A_3 = arith.constant 0 : index
    %get3A_4 = vector.load %arg2[%get3A_2, %get3A_3] : memref<1024x256xf32, #tpu.memory_space<vmem>>, vector<1024x256xf32>
    %get3A_5 = arith.constant 0 : index
    %get3A_6 = memref.load %arg0[%get3A_5] : memref<1xf32, #tpu.memory_space<smem>>
    %mul3A = arith.mulf %get3A_1, %get3A_1 : vector<512x256xf32>
    %reduce_sum3A = arith.constant dense<0.000000e+00> : vector<512xf32>
    %reduce_sum3A_7 = vector.multi_reduction <add>, %mul3A, %reduce_sum3A [1] : vector<512x256xf32> to vector<512xf32>
    %broadcast_in_dim3A = vector.shape_cast %reduce_sum3A_7 : vector<512xf32> to vector<512x1xf32>
    %mul3A_8 = arith.mulf %get3A_4, %get3A_4 : vector<1024x256xf32>
    %reduce_sum3A_9 = arith.constant dense<0.000000e+00> : vector<1024xf32>
    %reduce_sum3A_10 = vector.multi_reduction <add>, %mul3A_8, %reduce_sum3A_9 [1] : vector<1024x256xf32> to vector<1024xf32>
    %broadcast_in_dim3A_11 = vector.shape_cast %reduce_sum3A_10 : vector<1024xf32> to vector<1024x1xf32>
    %transpose3A = tpu.transpose %broadcast_in_dim3A_11, [1, 0] : vector<1024x1xf32> -> vector<1x1024xf32>
    %dot_general3A = arith.constant dense<0.000000e+00> : vector<512x1024xf32>
    %dot_general3A_12 = tpu.matmul %get3A_1, %get3A_4, %dot_general3A {dimension_numbers = #tpu.dot_dimension_numbers<[1], [1], [0], [0], [0, 0, 1, 0], [], []>, precision = #tpu.contract_precision<fp32>, transpose_lhs_hint = false} : vector<512x256xf32>, vector<1024x256xf32>, vector<512x1024xf32> -> vector<512x1024xf32>
    %add3A = vector.broadcast %broadcast_in_dim3A : vector<512x1xf32> to vector<512x1024xf32>
    %add3A_13 = vector.broadcast %transpose3A : vector<1x1024xf32> to vector<512x1024xf32>
    %add3A_14 = arith.addf %add3A, %add3A_13 : vector<512x1024xf32>
    %mul3A_15 = arith.constant 2.000000e+00 : f32
    %mul3A_16 = vector.broadcast %mul3A_15 : f32 to vector<512x1024xf32>
    %mul3A_17 = arith.mulf %mul3A_16, %dot_general3A_12 : vector<512x1024xf32>
    %sub3A = arith.subf %add3A_14, %mul3A_17 : vector<512x1024xf32>
    %max3A = arith.constant 0.000000e+00 : f32
    %max3A_18 = vector.broadcast %max3A : f32 to vector<512x1024xf32>
    %max3A_19 = arith.maximumf %sub3A, %max3A_18 : vector<512x1024xf32>
    %reduce_sum3A_20 = vector.shape_cast %max3A_19 : vector<512x1024xf32> to vector<1x512x1024xf32>
    %reduce_sum3A_21 = arith.constant dense<0.000000e+00> : vector<1xf32>
    %reduce_sum3A_22 = vector.multi_reduction <add>, %reduce_sum3A_20, %reduce_sum3A_21 [1, 2] : vector<1x512x1024xf32> to vector<1xf32>
    %reduce_sum3A_23 = vector.shape_cast %reduce_sum3A_22 : vector<1xf32> to vector<1x1x1xf32>
    %reduce_sum3A_24 = vector.extract %reduce_sum3A_23[0, 0, 0] : f32 from vector<1x1x1xf32>
    %div3A = arith.constant 5.242880e+05 : f32
    %div3A_25 = arith.divf %reduce_sum3A_24, %div3A : f32
    %sub3A_26 = vector.broadcast %div3A_25 : f32 to vector<512x1024xf32>
    %sub3A_27 = arith.subf %max3A_19, %sub3A_26 : vector<512x1024xf32>
    %broadcast_in_dim3A_28 = arith.constant 0.000000e+00 : f32
    %broadcast_in_dim3A_29 = vector.broadcast %broadcast_in_dim3A_28 : f32 to vector<1x1024xf32>
    %slice3A = vector.extract_strided_slice %sub3A_27 {offsets = [0, 0], sizes = [511, 1024], strides = [1, 1]} : vector<512x1024xf32> to vector<511x1024xf32>
    %concatenate3A = tpu.concatenate %broadcast_in_dim3A_29, %slice3A in 0 : vector<1x1024xf32>, vector<511x1024xf32> -> vector<512x1024xf32>
    %add3A_30 = arith.addf %sub3A_27, %concatenate3A : vector<512x1024xf32>
    %broadcast_in_dim3A_31 = arith.constant 0.000000e+00 : f32
    %broadcast_in_dim3A_32 = vector.broadcast %broadcast_in_dim3A_31 : f32 to vector<2x1024xf32>
    %slice3A_33 = vector.extract_strided_slice %add3A_30 {offsets = [0, 0], sizes = [510, 1024], strides = [1, 1]} : vector<512x1024xf32> to vector<510x1024xf32>
    %concatenate3A_34 = tpu.concatenate %broadcast_in_dim3A_32, %slice3A_33 in 0 : vector<2x1024xf32>, vector<510x1024xf32> -> vector<512x1024xf32>
    %add3A_35 = arith.addf %add3A_30, %concatenate3A_34 : vector<512x1024xf32>
    %broadcast_in_dim3A_36 = arith.constant 0.000000e+00 : f32
    %broadcast_in_dim3A_37 = vector.broadcast %broadcast_in_dim3A_36 : f32 to vector<4x1024xf32>
    %slice3A_38 = vector.extract_strided_slice %add3A_35 {offsets = [0, 0], sizes = [508, 1024], strides = [1, 1]} : vector<512x1024xf32> to vector<508x1024xf32>
    %concatenate3A_39 = tpu.concatenate %broadcast_in_dim3A_37, %slice3A_38 in 0 : vector<4x1024xf32>, vector<508x1024xf32> -> vector<512x1024xf32>
    %add3A_40 = arith.addf %add3A_35, %concatenate3A_39 : vector<512x1024xf32>
    %broadcast_in_dim3A_41 = arith.constant 0.000000e+00 : f32
    %broadcast_in_dim3A_42 = vector.broadcast %broadcast_in_dim3A_41 : f32 to vector<8x1024xf32>
    %slice3A_43 = vector.extract_strided_slice %add3A_40 {offsets = [0, 0], sizes = [504, 1024], strides = [1, 1]} : vector<512x1024xf32> to vector<504x1024xf32>
    %concatenate3A_44 = tpu.concatenate %broadcast_in_dim3A_42, %slice3A_43 in 0 : vector<8x1024xf32>, vector<504x1024xf32> -> vector<512x1024xf32>
    %add3A_45 = arith.addf %add3A_40, %concatenate3A_44 : vector<512x1024xf32>
    %broadcast_in_dim3A_46 = arith.constant 0.000000e+00 : f32
    %broadcast_in_dim3A_47 = vector.broadcast %broadcast_in_dim3A_46 : f32 to vector<16x1024xf32>
    %slice3A_48 = vector.extract_strided_slice %add3A_45 {offsets = [0, 0], sizes = [496, 1024], strides = [1, 1]} : vector<512x1024xf32> to vector<496x1024xf32>
    %concatenate3A_49 = tpu.concatenate %broadcast_in_dim3A_47, %slice3A_48 in 0 : vector<16x1024xf32>, vector<496x1024xf32> -> vector<512x1024xf32>
    %add3A_50 = arith.addf %add3A_45, %concatenate3A_49 : vector<512x1024xf32>
    %broadcast_in_dim3A_51 = arith.constant 0.000000e+00 : f32
    %broadcast_in_dim3A_52 = vector.broadcast %broadcast_in_dim3A_51 : f32 to vector<32x1024xf32>
    %slice3A_53 = vector.extract_strided_slice %add3A_50 {offsets = [0, 0], sizes = [480, 1024], strides = [1, 1]} : vector<512x1024xf32> to vector<480x1024xf32>
    %concatenate3A_54 = tpu.concatenate %broadcast_in_dim3A_52, %slice3A_53 in 0 : vector<32x1024xf32>, vector<480x1024xf32> -> vector<512x1024xf32>
    %add3A_55 = arith.addf %add3A_50, %concatenate3A_54 : vector<512x1024xf32>
    %broadcast_in_dim3A_56 = arith.constant 0.000000e+00 : f32
    %broadcast_in_dim3A_57 = vector.broadcast %broadcast_in_dim3A_56 : f32 to vector<64x1024xf32>
    %slice3A_58 = vector.extract_strided_slice %add3A_55 {offsets = [0, 0], sizes = [448, 1024], strides = [1, 1]} : vector<512x1024xf32> to vector<448x1024xf32>
    %concatenate3A_59 = tpu.concatenate %broadcast_in_dim3A_57, %slice3A_58 in 0 : vector<64x1024xf32>, vector<448x1024xf32> -> vector<512x1024xf32>
    %add3A_60 = arith.addf %add3A_55, %concatenate3A_59 : vector<512x1024xf32>
    %broadcast_in_dim3A_61 = arith.constant 0.000000e+00 : f32
    %broadcast_in_dim3A_62 = vector.broadcast %broadcast_in_dim3A_61 : f32 to vector<128x1024xf32>
    %slice3A_63 = vector.extract_strided_slice %add3A_60 {offsets = [0, 0], sizes = [384, 1024], strides = [1, 1]} : vector<512x1024xf32> to vector<384x1024xf32>
    %concatenate3A_64 = tpu.concatenate %broadcast_in_dim3A_62, %slice3A_63 in 0 : vector<128x1024xf32>, vector<384x1024xf32> -> vector<512x1024xf32>
    %add3A_65 = arith.addf %add3A_60, %concatenate3A_64 : vector<512x1024xf32>
    %broadcast_in_dim3A_66 = arith.constant 0.000000e+00 : f32
    %broadcast_in_dim3A_67 = vector.broadcast %broadcast_in_dim3A_66 : f32 to vector<256x1024xf32>
    %slice3A_68 = vector.extract_strided_slice %add3A_65 {offsets = [0, 0], sizes = [256, 1024], strides = [1, 1]} : vector<512x1024xf32> to vector<256x1024xf32>
    %concatenate3A_69 = tpu.concatenate %broadcast_in_dim3A_67, %slice3A_68 in 0 : vector<256x1024xf32>, vector<256x1024xf32> -> vector<512x1024xf32>
    %add3A_70 = arith.addf %add3A_65, %concatenate3A_69 : vector<512x1024xf32>
    %swap3A = arith.constant 0 : index
    %swap3A_71 = arith.constant 0 : index
    %swap3A_72 = vector.load %arg5[%swap3A, %swap3A_71] : memref<512x1024xf32, #tpu.memory_space<vmem>>, vector<512x1024xf32>
    tpu.vector_store %arg5[%swap3A, %swap3A_71], %add3A_70 {strides = array<i32>} : memref<512x1024xf32, #tpu.memory_space<vmem>>, vector<512x1024xf32>,
    %get3A_73 = arith.constant 0 : index
    %get3A_74 = arith.constant 0 : index
    %get3A_75 = vector.load %arg5[%get3A_73, %get3A_74] : memref<512x1024xf32, #tpu.memory_space<vmem>>, vector<512x1024xf32>
    %broadcast_in_dim3A_76 = arith.constant 0.000000e+00 : f32
    %broadcast_in_dim3A_77 = vector.broadcast %broadcast_in_dim3A_76 : f32 to vector<1x1024xf32>
    %slice3A_78 = vector.extract_strided_slice %get3A_75 {offsets = [0, 0], sizes = [511, 1024], strides = [1, 1]} : vector<512x1024xf32> to vector<511x1024xf32>
    %concatenate3A_79 = tpu.concatenate %broadcast_in_dim3A_77, %slice3A_78 in 0 : vector<1x1024xf32>, vector<511x1024xf32> -> vector<512x1024xf32>
    %sub3A_80 = arith.subf %get3A_75, %concatenate3A_79 : vector<512x1024xf32>
    %reduce_min3A = arith.constant dense<0x7F800000> : vector<512xf32>
    %reduce_min3A_81 = vector.multi_reduction <minimumf>, %sub3A_80, %reduce_min3A [1] : vector<512x1024xf32> to vector<512xf32>
    %broadcast_in_dim3A_82 = vector.shape_cast %reduce_min3A_81 : vector<512xf32> to vector<512x1xf32>
    %swap3A_83 = arith.constant 0 : index
    %swap3A_84 = arith.constant 0 : index
    %swap3A_85 = vector.load %arg7[%swap3A_83, %swap3A_84] : memref<512x8xf32, #tpu.memory_space<vmem>>, vector<512x1xf32>
    tpu.vector_store %arg7[%swap3A_83, %swap3A_84], %broadcast_in_dim3A_82 {strides = array<i32>} : memref<512x8xf32, #tpu.memory_space<vmem>>, vector<512x1xf32>,
    %broadcast_in_dim3A_86 = arith.constant 0.000000e+00 : f32
    %broadcast_in_dim3A_87 = vector.broadcast %broadcast_in_dim3A_86 : f32 to vector<2x1024xf32>
    %slice3A_88 = vector.extract_strided_slice %get3A_75 {offsets = [0, 0], sizes = [510, 1024], strides = [1, 1]} : vector<512x1024xf32> to vector<510x1024xf32>
    %concatenate3A_89 = tpu.concatenate %broadcast_in_dim3A_87, %slice3A_88 in 0 : vector<2x1024xf32>, vector<510x1024xf32> -> vector<512x1024xf32>
    %sub3A_90 = arith.subf %get3A_75, %concatenate3A_89 : vector<512x1024xf32>
    %reduce_min3A_91 = arith.constant dense<0x7F800000> : vector<512xf32>
    %reduce_min3A_92 = vector.multi_reduction <minimumf>, %sub3A_90, %reduce_min3A_91 [1] : vector<512x1024xf32> to vector<512xf32>
    %broadcast_in_dim3A_93 = vector.shape_cast %reduce_min3A_92 : vector<512xf32> to vector<512x1xf32>
    %swap3A_94 = arith.constant 0 : index
    %swap3A_95 = arith.constant 1 : index
    %swap3A_96 = vector.load %arg7[%swap3A_94, %swap3A_95] : memref<512x8xf32, #tpu.memory_space<vmem>>, vector<512x1xf32>
    tpu.vector_store %arg7[%swap3A_94, %swap3A_95], %broadcast_in_dim3A_93 {strides = array<i32>} : memref<512x8xf32, #tpu.memory_space<vmem>>, vector<512x1xf32>,
    %broadcast_in_dim3A_97 = arith.constant 0.000000e+00 : f32
    %broadcast_in_dim3A_98 = vector.broadcast %broadcast_in_dim3A_97 : f32 to vector<3x1024xf32>
    %slice3A_99 = vector.extract_strided_slice %get3A_75 {offsets = [0, 0], sizes = [509, 1024], strides = [1, 1]} : vector<512x1024xf32> to vector<509x1024xf32>
    %concatenate3A_100 = tpu.concatenate %broadcast_in_dim3A_98, %slice3A_99 in 0 : vector<3x1024xf32>, vector<509x1024xf32> -> vector<512x1024xf32>
    %sub3A_101 = arith.subf %get3A_75, %concatenate3A_100 : vector<512x1024xf32>
    %reduce_min3A_102 = arith.constant dense<0x7F800000> : vector<512xf32>
    %reduce_min3A_103 = vector.multi_reduction <minimumf>, %sub3A_101, %reduce_min3A_102 [1] : vector<512x1024xf32> to vector<512xf32>
    %broadcast_in_dim3A_104 = vector.shape_cast %reduce_min3A_103 : vector<512xf32> to vector<512x1xf32>
    %swap3A_105 = arith.constant 0 : index
    %swap3A_106 = arith.constant 2 : index
    %swap3A_107 = vector.load %arg7[%swap3A_105, %swap3A_106] : memref<512x8xf32, #tpu.memory_space<vmem>>, vector<512x1xf32>
    tpu.vector_store %arg7[%swap3A_105, %swap3A_106], %broadcast_in_dim3A_104 {strides = array<i32>} : memref<512x8xf32, #tpu.memory_space<vmem>>, vector<512x1xf32>,
    %broadcast_in_dim3A_108 = arith.constant 0.000000e+00 : f32
    %broadcast_in_dim3A_109 = vector.broadcast %broadcast_in_dim3A_108 : f32 to vector<4x1024xf32>
    %slice3A_110 = vector.extract_strided_slice %get3A_75 {offsets = [0, 0], sizes = [508, 1024], strides = [1, 1]} : vector<512x1024xf32> to vector<508x1024xf32>
    %concatenate3A_111 = tpu.concatenate %broadcast_in_dim3A_109, %slice3A_110 in 0 : vector<4x1024xf32>, vector<508x1024xf32> -> vector<512x1024xf32>
    %sub3A_112 = arith.subf %get3A_75, %concatenate3A_111 : vector<512x1024xf32>
    %reduce_min3A_113 = arith.constant dense<0x7F800000> : vector<512xf32>
    %reduce_min3A_114 = vector.multi_reduction <minimumf>, %sub3A_112, %reduce_min3A_113 [1] : vector<512x1024xf32> to vector<512xf32>
    %broadcast_in_dim3A_115 = vector.shape_cast %reduce_min3A_114 : vector<512xf32> to vector<512x1xf32>
    %swap3A_116 = arith.constant 0 : index
    %swap3A_117 = arith.constant 3 : index
    %swap3A_118 = vector.load %arg7[%swap3A_116, %swap3A_117] : memref<512x8xf32, #tpu.memory_space<vmem>>, vector<512x1xf32>
    tpu.vector_store %arg7[%swap3A_116, %swap3A_117], %broadcast_in_dim3A_115 {strides = array<i32>} : memref<512x8xf32, #tpu.memory_space<vmem>>, vector<512x1xf32>,
    %broadcast_in_dim3A_119 = arith.constant 0.000000e+00 : f32
    %broadcast_in_dim3A_120 = vector.broadcast %broadcast_in_dim3A_119 : f32 to vector<5x1024xf32>
    %slice3A_121 = vector.extract_strided_slice %get3A_75 {offsets = [0, 0], sizes = [507, 1024], strides = [1, 1]} : vector<512x1024xf32> to vector<507x1024xf32>
    %concatenate3A_122 = tpu.concatenate %broadcast_in_dim3A_120, %slice3A_121 in 0 : vector<5x1024xf32>, vector<507x1024xf32> -> vector<512x1024xf32>
    %sub3A_123 = arith.subf %get3A_75, %concatenate3A_122 : vector<512x1024xf32>
    %reduce_min3A_124 = arith.constant dense<0x7F800000> : vector<512xf32>
    %reduce_min3A_125 = vector.multi_reduction <minimumf>, %sub3A_123, %reduce_min3A_124 [1] : vector<512x1024xf32> to vector<512xf32>
    %broadcast_in_dim3A_126 = vector.shape_cast %reduce_min3A_125 : vector<512xf32> to vector<512x1xf32>
    %swap3A_127 = arith.constant 0 : index
    %swap3A_128 = arith.constant 4 : index
    %swap3A_129 = vector.load %arg7[%swap3A_127, %swap3A_128] : memref<512x8xf32, #tpu.memory_space<vmem>>, vector<512x1xf32>
    tpu.vector_store %arg7[%swap3A_127, %swap3A_128], %broadcast_in_dim3A_126 {strides = array<i32>} : memref<512x8xf32, #tpu.memory_space<vmem>>, vector<512x1xf32>,
    %broadcast_in_dim3A_130 = arith.constant 0.000000e+00 : f32
    %broadcast_in_dim3A_131 = vector.broadcast %broadcast_in_dim3A_130 : f32 to vector<6x1024xf32>
    %slice3A_132 = vector.extract_strided_slice %get3A_75 {offsets = [0, 0], sizes = [506, 1024], strides = [1, 1]} : vector<512x1024xf32> to vector<506x1024xf32>
    %concatenate3A_133 = tpu.concatenate %broadcast_in_dim3A_131, %slice3A_132 in 0 : vector<6x1024xf32>, vector<506x1024xf32> -> vector<512x1024xf32>
    %sub3A_134 = arith.subf %get3A_75, %concatenate3A_133 : vector<512x1024xf32>
    %reduce_min3A_135 = arith.constant dense<0x7F800000> : vector<512xf32>
    %reduce_min3A_136 = vector.multi_reduction <minimumf>, %sub3A_134, %reduce_min3A_135 [1] : vector<512x1024xf32> to vector<512xf32>
    %broadcast_in_dim3A_137 = vector.shape_cast %reduce_min3A_136 : vector<512xf32> to vector<512x1xf32>
    %swap3A_138 = arith.constant 0 : index
    %swap3A_139 = arith.constant 5 : index
    %swap3A_140 = vector.load %arg7[%swap3A_138, %swap3A_139] : memref<512x8xf32, #tpu.memory_space<vmem>>, vector<512x1xf32>
    tpu.vector_store %arg7[%swap3A_138, %swap3A_139], %broadcast_in_dim3A_137 {strides = array<i32>} : memref<512x8xf32, #tpu.memory_space<vmem>>, vector<512x1xf32>,
    %broadcast_in_dim3A_141 = arith.constant 0.000000e+00 : f32
    %broadcast_in_dim3A_142 = vector.broadcast %broadcast_in_dim3A_141 : f32 to vector<7x1024xf32>
    %slice3A_143 = vector.extract_strided_slice %get3A_75 {offsets = [0, 0], sizes = [505, 1024], strides = [1, 1]} : vector<512x1024xf32> to vector<505x1024xf32>
    %concatenate3A_144 = tpu.concatenate %broadcast_in_dim3A_142, %slice3A_143 in 0 : vector<7x1024xf32>, vector<505x1024xf32> -> vector<512x1024xf32>
    %sub3A_145 = arith.subf %get3A_75, %concatenate3A_144 : vector<512x1024xf32>
    %reduce_min3A_146 = arith.constant dense<0x7F800000> : vector<512xf32>
    %reduce_min3A_147 = vector.multi_reduction <minimumf>, %sub3A_145, %reduce_min3A_146 [1] : vector<512x1024xf32> to vector<512xf32>
    %broadcast_in_dim3A_148 = vector.shape_cast %reduce_min3A_147 : vector<512xf32> to vector<512x1xf32>
    %swap3A_149 = arith.constant 0 : index
    %swap3A_150 = arith.constant 6 : index
    %swap3A_151 = vector.load %arg7[%swap3A_149, %swap3A_150] : memref<512x8xf32, #tpu.memory_space<vmem>>, vector<512x1xf32>
    tpu.vector_store %arg7[%swap3A_149, %swap3A_150], %broadcast_in_dim3A_148 {strides = array<i32>} : memref<512x8xf32, #tpu.memory_space<vmem>>, vector<512x1xf32>,
    %broadcast_in_dim3A_152 = arith.constant 0.000000e+00 : f32
    %broadcast_in_dim3A_153 = vector.broadcast %broadcast_in_dim3A_152 : f32 to vector<1x1024xf32>
    %scan3A = arith.constant 0 : i32
    %scan3A_154 = arith.constant 64 : i32
    %scan3A_155 = arith.addi %scan3A, %scan3A_154 : i32
    %scan3A_156 = arith.constant 1 : i32
    %scan3A_157 = scf.for %scan3A_296 = %scan3A to %scan3A_155 step %scan3A_156 iter_args(%scan3A_297 = %broadcast_in_dim3A_153) -> (vector<1x1024xf32>)  : i32 {
      %mul3A_298 = arith.constant 8 : i32
      %mul3A_299 = arith.muli %scan3A_296, %mul3A_298 : i32
      %multiple_of3A = tpu.assume_multiple %mul3A_299, 8 : i32
      %get3A_300 = arith.index_cast %multiple_of3A : i32 to index
      %get3A_301 = arith.constant 0 : index
      %get3A_302 = vector.load %arg5[%get3A_300, %get3A_301] : memref<512x1024xf32, #tpu.memory_space<vmem>>, vector<8x1024xf32>
      %add3A_303 = vector.broadcast %scan3A_297 : vector<1x1024xf32> to vector<8x1024xf32>
      %add3A_304 = arith.addf %get3A_302, %add3A_303 : vector<8x1024xf32>
      %reduce_min3A_305 = arith.constant dense<0x7F800000> : vector<8xf32>
      %reduce_min3A_306 = vector.multi_reduction <minimumf>, %add3A_304, %reduce_min3A_305 [1] : vector<8x1024xf32> to vector<8xf32>
      %broadcast_in_dim3A_307 = vector.shape_cast %reduce_min3A_306 : vector<8xf32> to vector<8x1xf32>
      %get3A_308 = arith.index_cast %multiple_of3A : i32 to index
      %get3A_309 = arith.constant 0 : index
      %get3A_310 = vector.load %arg7[%get3A_308, %get3A_309] : memref<512x8xf32, #tpu.memory_space<vmem>>, vector<8x8xf32>
      %slice3A_311 = vector.extract_strided_slice %broadcast_in_dim3A_307 {offsets = [0, 0], sizes = [1, 1], strides = [1, 1]} : vector<8x1xf32> to vector<1x1xf32>
      %reduce_min3A_312 = vector.shape_cast %slice3A_311 : vector<1x1xf32> to vector<1x1x1xf32>
      %reduce_min3A_313 = arith.constant dense<0x7F800000> : vector<1xf32>
      %reduce_min3A_314 = vector.multi_reduction <minimumf>, %reduce_min3A_312, %reduce_min3A_313 [1, 2] : vector<1x1x1xf32> to vector<1xf32>
      %reduce_min3A_315 = vector.shape_cast %reduce_min3A_314 : vector<1xf32> to vector<1x1x1xf32>
      %reduce_min3A_316 = vector.extract %reduce_min3A_315[0, 0, 0] : f32 from vector<1x1x1xf32>
      %add3A_317 = arith.addf %reduce_min3A_316, %get3A_6 : f32
      %reshape3A = vector.broadcast %add3A_317 : f32 to vector<1x1xf32>
      %add3A_318 = arith.constant 1 : i32
      %add3A_319 = arith.addi %multiple_of3A, %add3A_318 : i32
      %sub3A_320 = arith.constant 1 : i32
      %sub3A_321 = arith.subi %add3A_319, %sub3A_320 : i32
      %swap3A_322 = arith.index_cast %sub3A_321 : i32 to index
      %swap3A_323 = arith.constant 0 : index
      %swap3A_324 = vector.load %arg6[%swap3A_322, %swap3A_323] : memref<512x1xf32, #tpu.memory_space<vmem>>, vector<1x1xf32>
      tpu.vector_store %arg6[%swap3A_322, %swap3A_323], %reshape3A {strides = array<i32>} : memref<512x1xf32, #tpu.memory_space<vmem>>, vector<1x1xf32>,
      %slice3A_325 = vector.extract_strided_slice %broadcast_in_dim3A_307 {offsets = [1, 0], sizes = [1, 1], strides = [1, 1]} : vector<8x1xf32> to vector<1x1xf32>
      %reduce_min3A_326 = vector.shape_cast %slice3A_325 : vector<1x1xf32> to vector<1x1x1xf32>
      %reduce_min3A_327 = arith.constant dense<0x7F800000> : vector<1xf32>
      %reduce_min3A_328 = vector.multi_reduction <minimumf>, %reduce_min3A_326, %reduce_min3A_327 [1, 2] : vector<1x1x1xf32> to vector<1xf32>
      %reduce_min3A_329 = vector.shape_cast %reduce_min3A_328 : vector<1xf32> to vector<1x1x1xf32>
      %reduce_min3A_330 = vector.extract %reduce_min3A_329[0, 0, 0] : f32 from vector<1x1x1xf32>
      %slice3A_331 = vector.extract_strided_slice %get3A_310 {offsets = [1, 0], sizes = [1, 1], strides = [1, 1]} : vector<8x8xf32> to vector<1x1xf32>
      %reduce_min3A_332 = vector.shape_cast %slice3A_331 : vector<1x1xf32> to vector<1x1x1xf32>
      %reduce_min3A_333 = arith.constant dense<0x7F800000> : vector<1xf32>
      %reduce_min3A_334 = vector.multi_reduction <minimumf>, %reduce_min3A_332, %reduce_min3A_333 [1, 2] : vector<1x1x1xf32> to vector<1xf32>
      %reduce_min3A_335 = vector.shape_cast %reduce_min3A_334 : vector<1xf32> to vector<1x1x1xf32>
      %reduce_min3A_336 = vector.extract %reduce_min3A_335[0, 0, 0] : f32 from vector<1x1x1xf32>
      %add3A_337 = arith.addf %add3A_317, %reduce_min3A_336 : f32
      %min3A = arith.minimumf %reduce_min3A_330, %add3A_337 : f32
      %add3A_338 = arith.addf %min3A, %get3A_6 : f32
      %reshape3A_339 = vector.broadcast %add3A_338 : f32 to vector<1x1xf32>
      %add3A_340 = arith.constant 2 : i32
      %add3A_341 = arith.addi %multiple_of3A, %add3A_340 : i32
      %sub3A_342 = arith.constant 1 : i32
      %sub3A_343 = arith.subi %add3A_341, %sub3A_342 : i32
      %swap3A_344 = arith.index_cast %sub3A_343 : i32 to index
      %swap3A_345 = arith.constant 0 : index
      %swap3A_346 = vector.load %arg6[%swap3A_344, %swap3A_345] : memref<512x1xf32, #tpu.memory_space<vmem>>, vector<1x1xf32>
      tpu.vector_store %arg6[%swap3A_344, %swap3A_345], %reshape3A_339 {strides = array<i32>} : memref<512x1xf32, #tpu.memory_space<vmem>>, vector<1x1xf32>,
      %slice3A_347 = vector.extract_strided_slice %broadcast_in_dim3A_307 {offsets = [2, 0], sizes = [1, 1], strides = [1, 1]} : vector<8x1xf32> to vector<1x1xf32>
      %reduce_min3A_348 = vector.shape_cast %slice3A_347 : vector<1x1xf32> to vector<1x1x1xf32>
      %reduce_min3A_349 = arith.constant dense<0x7F800000> : vector<1xf32>
      %reduce_min3A_350 = vector.multi_reduction <minimumf>, %reduce_min3A_348, %reduce_min3A_349 [1, 2] : vector<1x1x1xf32> to vector<1xf32>
      %reduce_min3A_351 = vector.shape_cast %reduce_min3A_350 : vector<1xf32> to vector<1x1x1xf32>
      %reduce_min3A_352 = vector.extract %reduce_min3A_351[0, 0, 0] : f32 from vector<1x1x1xf32>
      %slice3A_353 = vector.extract_strided_slice %get3A_310 {offsets = [2, 0], sizes = [1, 1], strides = [1, 1]} : vector<8x8xf32> to vector<1x1xf32>
      %reduce_min3A_354 = vector.shape_cast %slice3A_353 : vector<1x1xf32> to vector<1x1x1xf32>
      %reduce_min3A_355 = arith.constant dense<0x7F800000> : vector<1xf32>
      %reduce_min3A_356 = vector.multi_reduction <minimumf>, %reduce_min3A_354, %reduce_min3A_355 [1, 2] : vector<1x1x1xf32> to vector<1xf32>
      %reduce_min3A_357 = vector.shape_cast %reduce_min3A_356 : vector<1xf32> to vector<1x1x1xf32>
      %reduce_min3A_358 = vector.extract %reduce_min3A_357[0, 0, 0] : f32 from vector<1x1x1xf32>
      %add3A_359 = arith.addf %add3A_338, %reduce_min3A_358 : f32
      %min3A_360 = arith.minimumf %reduce_min3A_352, %add3A_359 : f32
      %slice3A_361 = vector.extract_strided_slice %get3A_310 {offsets = [2, 1], sizes = [1, 1], strides = [1, 1]} : vector<8x8xf32> to vector<1x1xf32>
      %reduce_min3A_362 = vector.shape_cast %slice3A_361 : vector<1x1xf32> to vector<1x1x1xf32>
      %reduce_min3A_363 = arith.constant dense<0x7F800000> : vector<1xf32>
      %reduce_min3A_364 = vector.multi_reduction <minimumf>, %reduce_min3A_362, %reduce_min3A_363 [1, 2] : vector<1x1x1xf32> to vector<1xf32>
      %reduce_min3A_365 = vector.shape_cast %reduce_min3A_364 : vector<1xf32> to vector<1x1x1xf32>
      %reduce_min3A_366 = vector.extract %reduce_min3A_365[0, 0, 0] : f32 from vector<1x1x1xf32>
      %add3A_367 = arith.addf %add3A_317, %reduce_min3A_366 : f32
      %min3A_368 = arith.minimumf %min3A_360, %add3A_367 : f32
      %add3A_369 = arith.addf %min3A_368, %get3A_6 : f32
      %reshape3A_370 = vector.broadcast %add3A_369 : f32 to vector<1x1xf32>
      %add3A_371 = arith.constant 3 : i32
      %add3A_372 = arith.addi %multiple_of3A, %add3A_371 : i32
      %sub3A_373 = arith.constant 1 : i32
      %sub3A_374 = arith.subi %add3A_372, %sub3A_373 : i32
      %swap3A_375 = arith.index_cast %sub3A_374 : i32 to index
      %swap3A_376 = arith.constant 0 : index
      %swap3A_377 = vector.load %arg6[%swap3A_375, %swap3A_376] : memref<512x1xf32, #tpu.memory_space<vmem>>, vector<1x1xf32>
      tpu.vector_store %arg6[%swap3A_375, %swap3A_376], %reshape3A_370 {strides = array<i32>} : memref<512x1xf32, #tpu.memory_space<vmem>>, vector<1x1xf32>,
      %slice3A_378 = vector.extract_strided_slice %broadcast_in_dim3A_307 {offsets = [3, 0], sizes = [1, 1], strides = [1, 1]} : vector<8x1xf32> to vector<1x1xf32>
      %reduce_min3A_379 = vector.shape_cast %slice3A_378 : vector<1x1xf32> to vector<1x1x1xf32>
      %reduce_min3A_380 = arith.constant dense<0x7F800000> : vector<1xf32>
      %reduce_min3A_381 = vector.multi_reduction <minimumf>, %reduce_min3A_379, %reduce_min3A_380 [1, 2] : vector<1x1x1xf32> to vector<1xf32>
      %reduce_min3A_382 = vector.shape_cast %reduce_min3A_381 : vector<1xf32> to vector<1x1x1xf32>
      %reduce_min3A_383 = vector.extract %reduce_min3A_382[0, 0, 0] : f32 from vector<1x1x1xf32>
      %slice3A_384 = vector.extract_strided_slice %get3A_310 {offsets = [3, 0], sizes = [1, 1], strides = [1, 1]} : vector<8x8xf32> to vector<1x1xf32>
      %reduce_min3A_385 = vector.shape_cast %slice3A_384 : vector<1x1xf32> to vector<1x1x1xf32>
      %reduce_min3A_386 = arith.constant dense<0x7F800000> : vector<1xf32>
      %reduce_min3A_387 = vector.multi_reduction <minimumf>, %reduce_min3A_385, %reduce_min3A_386 [1, 2] : vector<1x1x1xf32> to vector<1xf32>
      %reduce_min3A_388 = vector.shape_cast %reduce_min3A_387 : vector<1xf32> to vector<1x1x1xf32>
      %reduce_min3A_389 = vector.extract %reduce_min3A_388[0, 0, 0] : f32 from vector<1x1x1xf32>
      %add3A_390 = arith.addf %add3A_369, %reduce_min3A_389 : f32
      %min3A_391 = arith.minimumf %reduce_min3A_383, %add3A_390 : f32
      %slice3A_392 = vector.extract_strided_slice %get3A_310 {offsets = [3, 1], sizes = [1, 1], strides = [1, 1]} : vector<8x8xf32> to vector<1x1xf32>
      %reduce_min3A_393 = vector.shape_cast %slice3A_392 : vector<1x1xf32> to vector<1x1x1xf32>
      %reduce_min3A_394 = arith.constant dense<0x7F800000> : vector<1xf32>
      %reduce_min3A_395 = vector.multi_reduction <minimumf>, %reduce_min3A_393, %reduce_min3A_394 [1, 2] : vector<1x1x1xf32> to vector<1xf32>
      %reduce_min3A_396 = vector.shape_cast %reduce_min3A_395 : vector<1xf32> to vector<1x1x1xf32>
      %reduce_min3A_397 = vector.extract %reduce_min3A_396[0, 0, 0] : f32 from vector<1x1x1xf32>
      %add3A_398 = arith.addf %add3A_338, %reduce_min3A_397 : f32
      %min3A_399 = arith.minimumf %min3A_391, %add3A_398 : f32
      %slice3A_400 = vector.extract_strided_slice %get3A_310 {offsets = [3, 2], sizes = [1, 1], strides = [1, 1]} : vector<8x8xf32> to vector<1x1xf32>
      %reduce_min3A_401 = vector.shape_cast %slice3A_400 : vector<1x1xf32> to vector<1x1x1xf32>
      %reduce_min3A_402 = arith.constant dense<0x7F800000> : vector<1xf32>
      %reduce_min3A_403 = vector.multi_reduction <minimumf>, %reduce_min3A_401, %reduce_min3A_402 [1, 2] : vector<1x1x1xf32> to vector<1xf32>
      %reduce_min3A_404 = vector.shape_cast %reduce_min3A_403 : vector<1xf32> to vector<1x1x1xf32>
      %reduce_min3A_405 = vector.extract %reduce_min3A_404[0, 0, 0] : f32 from vector<1x1x1xf32>
      %add3A_406 = arith.addf %add3A_317, %reduce_min3A_405 : f32
      %min3A_407 = arith.minimumf %min3A_399, %add3A_406 : f32
      %add3A_408 = arith.addf %min3A_407, %get3A_6 : f32
      %reshape3A_409 = vector.broadcast %add3A_408 : f32 to vector<1x1xf32>
      %add3A_410 = arith.constant 4 : i32
      %add3A_411 = arith.addi %multiple_of3A, %add3A_410 : i32
      %sub3A_412 = arith.constant 1 : i32
      %sub3A_413 = arith.subi %add3A_411, %sub3A_412 : i32
      %swap3A_414 = arith.index_cast %sub3A_413 : i32 to index
      %swap3A_415 = arith.constant 0 : index
      %swap3A_416 = vector.load %arg6[%swap3A_414, %swap3A_415] : memref<512x1xf32, #tpu.memory_space<vmem>>, vector<1x1xf32>
      tpu.vector_store %arg6[%swap3A_414, %swap3A_415], %reshape3A_409 {strides = array<i32>} : memref<512x1xf32, #tpu.memory_space<vmem>>, vector<1x1xf32>,
      %slice3A_417 = vector.extract_strided_slice %broadcast_in_dim3A_307 {offsets = [4, 0], sizes = [1, 1], strides = [1, 1]} : vector<8x1xf32> to vector<1x1xf32>
      %reduce_min3A_418 = vector.shape_cast %slice3A_417 : vector<1x1xf32> to vector<1x1x1xf32>
      %reduce_min3A_419 = arith.constant dense<0x7F800000> : vector<1xf32>
      %reduce_min3A_420 = vector.multi_reduction <minimumf>, %reduce_min3A_418, %reduce_min3A_419 [1, 2] : vector<1x1x1xf32> to vector<1xf32>
      %reduce_min3A_421 = vector.shape_cast %reduce_min3A_420 : vector<1xf32> to vector<1x1x1xf32>
      %reduce_min3A_422 = vector.extract %reduce_min3A_421[0, 0, 0] : f32 from vector<1x1x1xf32>
      %slice3A_423 = vector.extract_strided_slice %get3A_310 {offsets = [4, 0], sizes = [1, 1], strides = [1, 1]} : vector<8x8xf32> to vector<1x1xf32>
      %reduce_min3A_424 = vector.shape_cast %slice3A_423 : vector<1x1xf32> to vector<1x1x1xf32>
      %reduce_min3A_425 = arith.constant dense<0x7F800000> : vector<1xf32>
      %reduce_min3A_426 = vector.multi_reduction <minimumf>, %reduce_min3A_424, %reduce_min3A_425 [1, 2] : vector<1x1x1xf32> to vector<1xf32>
      %reduce_min3A_427 = vector.shape_cast %reduce_min3A_426 : vector<1xf32> to vector<1x1x1xf32>
      %reduce_min3A_428 = vector.extract %reduce_min3A_427[0, 0, 0] : f32 from vector<1x1x1xf32>
      %add3A_429 = arith.addf %add3A_408, %reduce_min3A_428 : f32
      %min3A_430 = arith.minimumf %reduce_min3A_422, %add3A_429 : f32
      %slice3A_431 = vector.extract_strided_slice %get3A_310 {offsets = [4, 1], sizes = [1, 1], strides = [1, 1]} : vector<8x8xf32> to vector<1x1xf32>
      %reduce_min3A_432 = vector.shape_cast %slice3A_431 : vector<1x1xf32> to vector<1x1x1xf32>
      %reduce_min3A_433 = arith.constant dense<0x7F800000> : vector<1xf32>
      %reduce_min3A_434 = vector.multi_reduction <minimumf>, %reduce_min3A_432, %reduce_min3A_433 [1, 2] : vector<1x1x1xf32> to vector<1xf32>
      %reduce_min3A_435 = vector.shape_cast %reduce_min3A_434 : vector<1xf32> to vector<1x1x1xf32>
      %reduce_min3A_436 = vector.extract %reduce_min3A_435[0, 0, 0] : f32 from vector<1x1x1xf32>
      %add3A_437 = arith.addf %add3A_369, %reduce_min3A_436 : f32
      %min3A_438 = arith.minimumf %min3A_430, %add3A_437 : f32
      %slice3A_439 = vector.extract_strided_slice %get3A_310 {offsets = [4, 2], sizes = [1, 1], strides = [1, 1]} : vector<8x8xf32> to vector<1x1xf32>
      %reduce_min3A_440 = vector.shape_cast %slice3A_439 : vector<1x1xf32> to vector<1x1x1xf32>
      %reduce_min3A_441 = arith.constant dense<0x7F800000> : vector<1xf32>
      %reduce_min3A_442 = vector.multi_reduction <minimumf>, %reduce_min3A_440, %reduce_min3A_441 [1, 2] : vector<1x1x1xf32> to vector<1xf32>
      %reduce_min3A_443 = vector.shape_cast %reduce_min3A_442 : vector<1xf32> to vector<1x1x1xf32>
      %reduce_min3A_444 = vector.extract %reduce_min3A_443[0, 0, 0] : f32 from vector<1x1x1xf32>
      %add3A_445 = arith.addf %add3A_338, %reduce_min3A_444 : f32
      %min3A_446 = arith.minimumf %min3A_438, %add3A_445 : f32
      %slice3A_447 = vector.extract_strided_slice %get3A_310 {offsets = [4, 3], sizes = [1, 1], strides = [1, 1]} : vector<8x8xf32> to vector<1x1xf32>
      %reduce_min3A_448 = vector.shape_cast %slice3A_447 : vector<1x1xf32> to vector<1x1x1xf32>
      %reduce_min3A_449 = arith.constant dense<0x7F800000> : vector<1xf32>
      %reduce_min3A_450 = vector.multi_reduction <minimumf>, %reduce_min3A_448, %reduce_min3A_449 [1, 2] : vector<1x1x1xf32> to vector<1xf32>
      %reduce_min3A_451 = vector.shape_cast %reduce_min3A_450 : vector<1xf32> to vector<1x1x1xf32>
      %reduce_min3A_452 = vector.extract %reduce_min3A_451[0, 0, 0] : f32 from vector<1x1x1xf32>
      %add3A_453 = arith.addf %add3A_317, %reduce_min3A_452 : f32
      %min3A_454 = arith.minimumf %min3A_446, %add3A_453 : f32
      %add3A_455 = arith.addf %min3A_454, %get3A_6 : f32
      %reshape3A_456 = vector.broadcast %add3A_455 : f32 to vector<1x1xf32>
      %add3A_457 = arith.constant 5 : i32
      %add3A_458 = arith.addi %multiple_of3A, %add3A_457 : i32
      %sub3A_459 = arith.constant 1 : i32
      %sub3A_460 = arith.subi %add3A_458, %sub3A_459 : i32
      %swap3A_461 = arith.index_cast %sub3A_460 : i32 to index
      %swap3A_462 = arith.constant 0 : index
      %swap3A_463 = vector.load %arg6[%swap3A_461, %swap3A_462] : memref<512x1xf32, #tpu.memory_space<vmem>>, vector<1x1xf32>
      tpu.vector_store %arg6[%swap3A_461, %swap3A_462], %reshape3A_456 {strides = array<i32>} : memref<512x1xf32, #tpu.memory_space<vmem>>, vector<1x1xf32>,
      %slice3A_464 = vector.extract_strided_slice %broadcast_in_dim3A_307 {offsets = [5, 0], sizes = [1, 1], strides = [1, 1]} : vector<8x1xf32> to vector<1x1xf32>
      %reduce_min3A_465 = vector.shape_cast %slice3A_464 : vector<1x1xf32> to vector<1x1x1xf32>
      %reduce_min3A_466 = arith.constant dense<0x7F800000> : vector<1xf32>
      %reduce_min3A_467 = vector.multi_reduction <minimumf>, %reduce_min3A_465, %reduce_min3A_466 [1, 2] : vector<1x1x1xf32> to vector<1xf32>
      %reduce_min3A_468 = vector.shape_cast %reduce_min3A_467 : vector<1xf32> to vector<1x1x1xf32>
      %reduce_min3A_469 = vector.extract %reduce_min3A_468[0, 0, 0] : f32 from vector<1x1x1xf32>
      %slice3A_470 = vector.extract_strided_slice %get3A_310 {offsets = [5, 0], sizes = [1, 1], strides = [1, 1]} : vector<8x8xf32> to vector<1x1xf32>
      %reduce_min3A_471 = vector.shape_cast %slice3A_470 : vector<1x1xf32> to vector<1x1x1xf32>
      %reduce_min3A_472 = arith.constant dense<0x7F800000> : vector<1xf32>
      %reduce_min3A_473 = vector.multi_reduction <minimumf>, %reduce_min3A_471, %reduce_min3A_472 [1, 2] : vector<1x1x1xf32> to vector<1xf32>
      %reduce_min3A_474 = vector.shape_cast %reduce_min3A_473 : vector<1xf32> to vector<1x1x1xf32>
      %reduce_min3A_475 = vector.extract %reduce_min3A_474[0, 0, 0] : f32 from vector<1x1x1xf32>
      %add3A_476 = arith.addf %add3A_455, %reduce_min3A_475 : f32
      %min3A_477 = arith.minimumf %reduce_min3A_469, %add3A_476 : f32
      %slice3A_478 = vector.extract_strided_slice %get3A_310 {offsets = [5, 1], sizes = [1, 1], strides = [1, 1]} : vector<8x8xf32> to vector<1x1xf32>
      %reduce_min3A_479 = vector.shape_cast %slice3A_478 : vector<1x1xf32> to vector<1x1x1xf32>
      %reduce_min3A_480 = arith.constant dense<0x7F800000> : vector<1xf32>
      %reduce_min3A_481 = vector.multi_reduction <minimumf>, %reduce_min3A_479, %reduce_min3A_480 [1, 2] : vector<1x1x1xf32> to vector<1xf32>
      %reduce_min3A_482 = vector.shape_cast %reduce_min3A_481 : vector<1xf32> to vector<1x1x1xf32>
      %reduce_min3A_483 = vector.extract %reduce_min3A_482[0, 0, 0] : f32 from vector<1x1x1xf32>
      %add3A_484 = arith.addf %add3A_408, %reduce_min3A_483 : f32
      %min3A_485 = arith.minimumf %min3A_477, %add3A_484 : f32
      %slice3A_486 = vector.extract_strided_slice %get3A_310 {offsets = [5, 2], sizes = [1, 1], strides = [1, 1]} : vector<8x8xf32> to vector<1x1xf32>
      %reduce_min3A_487 = vector.shape_cast %slice3A_486 : vector<1x1xf32> to vector<1x1x1xf32>
      %reduce_min3A_488 = arith.constant dense<0x7F800000> : vector<1xf32>
      %reduce_min3A_489 = vector.multi_reduction <minimumf>, %reduce_min3A_487, %reduce_min3A_488 [1, 2] : vector<1x1x1xf32> to vector<1xf32>
      %reduce_min3A_490 = vector.shape_cast %reduce_min3A_489 : vector<1xf32> to vector<1x1x1xf32>
      %reduce_min3A_491 = vector.extract %reduce_min3A_490[0, 0, 0] : f32 from vector<1x1x1xf32>
      %add3A_492 = arith.addf %add3A_369, %reduce_min3A_491 : f32
      %min3A_493 = arith.minimumf %min3A_485, %add3A_492 : f32
      %slice3A_494 = vector.extract_strided_slice %get3A_310 {offsets = [5, 3], sizes = [1, 1], strides = [1, 1]} : vector<8x8xf32> to vector<1x1xf32>
      %reduce_min3A_495 = vector.shape_cast %slice3A_494 : vector<1x1xf32> to vector<1x1x1xf32>
      %reduce_min3A_496 = arith.constant dense<0x7F800000> : vector<1xf32>
      %reduce_min3A_497 = vector.multi_reduction <minimumf>, %reduce_min3A_495, %reduce_min3A_496 [1, 2] : vector<1x1x1xf32> to vector<1xf32>
      %reduce_min3A_498 = vector.shape_cast %reduce_min3A_497 : vector<1xf32> to vector<1x1x1xf32>
      %reduce_min3A_499 = vector.extract %reduce_min3A_498[0, 0, 0] : f32 from vector<1x1x1xf32>
      %add3A_500 = arith.addf %add3A_338, %reduce_min3A_499 : f32
      %min3A_501 = arith.minimumf %min3A_493, %add3A_500 : f32
      %slice3A_502 = vector.extract_strided_slice %get3A_310 {offsets = [5, 4], sizes = [1, 1], strides = [1, 1]} : vector<8x8xf32> to vector<1x1xf32>
      %reduce_min3A_503 = vector.shape_cast %slice3A_502 : vector<1x1xf32> to vector<1x1x1xf32>
      %reduce_min3A_504 = arith.constant dense<0x7F800000> : vector<1xf32>
      %reduce_min3A_505 = vector.multi_reduction <minimumf>, %reduce_min3A_503, %reduce_min3A_504 [1, 2] : vector<1x1x1xf32> to vector<1xf32>
      %reduce_min3A_506 = vector.shape_cast %reduce_min3A_505 : vector<1xf32> to vector<1x1x1xf32>
      %reduce_min3A_507 = vector.extract %reduce_min3A_506[0, 0, 0] : f32 from vector<1x1x1xf32>
      %add3A_508 = arith.addf %add3A_317, %reduce_min3A_507 : f32
      %min3A_509 = arith.minimumf %min3A_501, %add3A_508 : f32
      %add3A_510 = arith.addf %min3A_509, %get3A_6 : f32
      %reshape3A_511 = vector.broadcast %add3A_510 : f32 to vector<1x1xf32>
      %add3A_512 = arith.constant 6 : i32
      %add3A_513 = arith.addi %multiple_of3A, %add3A_512 : i32
      %sub3A_514 = arith.constant 1 : i32
      %sub3A_515 = arith.subi %add3A_513, %sub3A_514 : i32
      %swap3A_516 = arith.index_cast %sub3A_515 : i32 to index
      %swap3A_517 = arith.constant 0 : index
      %swap3A_518 = vector.load %arg6[%swap3A_516, %swap3A_517] : memref<512x1xf32, #tpu.memory_space<vmem>>, vector<1x1xf32>
      tpu.vector_store %arg6[%swap3A_516, %swap3A_517], %reshape3A_511 {strides = array<i32>} : memref<512x1xf32, #tpu.memory_space<vmem>>, vector<1x1xf32>,
      %slice3A_519 = vector.extract_strided_slice %broadcast_in_dim3A_307 {offsets = [6, 0], sizes = [1, 1], strides = [1, 1]} : vector<8x1xf32> to vector<1x1xf32>
      %reduce_min3A_520 = vector.shape_cast %slice3A_519 : vector<1x1xf32> to vector<1x1x1xf32>
      %reduce_min3A_521 = arith.constant dense<0x7F800000> : vector<1xf32>
      %reduce_min3A_522 = vector.multi_reduction <minimumf>, %reduce_min3A_520, %reduce_min3A_521 [1, 2] : vector<1x1x1xf32> to vector<1xf32>
      %reduce_min3A_523 = vector.shape_cast %reduce_min3A_522 : vector<1xf32> to vector<1x1x1xf32>
      %reduce_min3A_524 = vector.extract %reduce_min3A_523[0, 0, 0] : f32 from vector<1x1x1xf32>
      %slice3A_525 = vector.extract_strided_slice %get3A_310 {offsets = [6, 0], sizes = [1, 1], strides = [1, 1]} : vector<8x8xf32> to vector<1x1xf32>
      %reduce_min3A_526 = vector.shape_cast %slice3A_525 : vector<1x1xf32> to vector<1x1x1xf32>
      %reduce_min3A_527 = arith.constant dense<0x7F800000> : vector<1xf32>
      %reduce_min3A_528 = vector.multi_reduction <minimumf>, %reduce_min3A_526, %reduce_min3A_527 [1, 2] : vector<1x1x1xf32> to vector<1xf32>
      %reduce_min3A_529 = vector.shape_cast %reduce_min3A_528 : vector<1xf32> to vector<1x1x1xf32>
      %reduce_min3A_530 = vector.extract %reduce_min3A_529[0, 0, 0] : f32 from vector<1x1x1xf32>
      %add3A_531 = arith.addf %add3A_510, %reduce_min3A_530 : f32
      %min3A_532 = arith.minimumf %reduce_min3A_524, %add3A_531 : f32
      %slice3A_533 = vector.extract_strided_slice %get3A_310 {offsets = [6, 1], sizes = [1, 1], strides = [1, 1]} : vector<8x8xf32> to vector<1x1xf32>
      %reduce_min3A_534 = vector.shape_cast %slice3A_533 : vector<1x1xf32> to vector<1x1x1xf32>
      %reduce_min3A_535 = arith.constant dense<0x7F800000> : vector<1xf32>
      %reduce_min3A_536 = vector.multi_reduction <minimumf>, %reduce_min3A_534, %reduce_min3A_535 [1, 2] : vector<1x1x1xf32> to vector<1xf32>
      %reduce_min3A_537 = vector.shape_cast %reduce_min3A_536 : vector<1xf32> to vector<1x1x1xf32>
      %reduce_min3A_538 = vector.extract %reduce_min3A_537[0, 0, 0] : f32 from vector<1x1x1xf32>
      %add3A_539 = arith.addf %add3A_455, %reduce_min3A_538 : f32
      %min3A_540 = arith.minimumf %min3A_532, %add3A_539 : f32
      %slice3A_541 = vector.extract_strided_slice %get3A_310 {offsets = [6, 2], sizes = [1, 1], strides = [1, 1]} : vector<8x8xf32> to vector<1x1xf32>
      %reduce_min3A_542 = vector.shape_cast %slice3A_541 : vector<1x1xf32> to vector<1x1x1xf32>
      %reduce_min3A_543 = arith.constant dense<0x7F800000> : vector<1xf32>
      %reduce_min3A_544 = vector.multi_reduction <minimumf>, %reduce_min3A_542, %reduce_min3A_543 [1, 2] : vector<1x1x1xf32> to vector<1xf32>
      %reduce_min3A_545 = vector.shape_cast %reduce_min3A_544 : vector<1xf32> to vector<1x1x1xf32>
      %reduce_min3A_546 = vector.extract %reduce_min3A_545[0, 0, 0] : f32 from vector<1x1x1xf32>
      %add3A_547 = arith.addf %add3A_408, %reduce_min3A_546 : f32
      %min3A_548 = arith.minimumf %min3A_540, %add3A_547 : f32
      %slice3A_549 = vector.extract_strided_slice %get3A_310 {offsets = [6, 3], sizes = [1, 1], strides = [1, 1]} : vector<8x8xf32> to vector<1x1xf32>
      %reduce_min3A_550 = vector.shape_cast %slice3A_549 : vector<1x1xf32> to vector<1x1x1xf32>
      %reduce_min3A_551 = arith.constant dense<0x7F800000> : vector<1xf32>
      %reduce_min3A_552 = vector.multi_reduction <minimumf>, %reduce_min3A_550, %reduce_min3A_551 [1, 2] : vector<1x1x1xf32> to vector<1xf32>
      %reduce_min3A_553 = vector.shape_cast %reduce_min3A_552 : vector<1xf32> to vector<1x1x1xf32>
      %reduce_min3A_554 = vector.extract %reduce_min3A_553[0, 0, 0] : f32 from vector<1x1x1xf32>
      %add3A_555 = arith.addf %add3A_369, %reduce_min3A_554 : f32
      %min3A_556 = arith.minimumf %min3A_548, %add3A_555 : f32
      %slice3A_557 = vector.extract_strided_slice %get3A_310 {offsets = [6, 4], sizes = [1, 1], strides = [1, 1]} : vector<8x8xf32> to vector<1x1xf32>
      %reduce_min3A_558 = vector.shape_cast %slice3A_557 : vector<1x1xf32> to vector<1x1x1xf32>
      %reduce_min3A_559 = arith.constant dense<0x7F800000> : vector<1xf32>
      %reduce_min3A_560 = vector.multi_reduction <minimumf>, %reduce_min3A_558, %reduce_min3A_559 [1, 2] : vector<1x1x1xf32> to vector<1xf32>
      %reduce_min3A_561 = vector.shape_cast %reduce_min3A_560 : vector<1xf32> to vector<1x1x1xf32>
      %reduce_min3A_562 = vector.extract %reduce_min3A_561[0, 0, 0] : f32 from vector<1x1x1xf32>
      %add3A_563 = arith.addf %add3A_338, %reduce_min3A_562 : f32
      %min3A_564 = arith.minimumf %min3A_556, %add3A_563 : f32
      %slice3A_565 = vector.extract_strided_slice %get3A_310 {offsets = [6, 5], sizes = [1, 1], strides = [1, 1]} : vector<8x8xf32> to vector<1x1xf32>
      %reduce_min3A_566 = vector.shape_cast %slice3A_565 : vector<1x1xf32> to vector<1x1x1xf32>
      %reduce_min3A_567 = arith.constant dense<0x7F800000> : vector<1xf32>
      %reduce_min3A_568 = vector.multi_reduction <minimumf>, %reduce_min3A_566, %reduce_min3A_567 [1, 2] : vector<1x1x1xf32> to vector<1xf32>
      %reduce_min3A_569 = vector.shape_cast %reduce_min3A_568 : vector<1xf32> to vector<1x1x1xf32>
      %reduce_min3A_570 = vector.extract %reduce_min3A_569[0, 0, 0] : f32 from vector<1x1x1xf32>
      %add3A_571 = arith.addf %add3A_317, %reduce_min3A_570 : f32
      %min3A_572 = arith.minimumf %min3A_564, %add3A_571 : f32
      %add3A_573 = arith.addf %min3A_572, %get3A_6 : f32
      %reshape3A_574 = vector.broadcast %add3A_573 : f32 to vector<1x1xf32>
      %add3A_575 = arith.constant 7 : i32
      %add3A_576 = arith.addi %multiple_of3A, %add3A_575 : i32
      %sub3A_577 = arith.constant 1 : i32
      %sub3A_578 = arith.subi %add3A_576, %sub3A_577 : i32
      %swap3A_579 = arith.index_cast %sub3A_578 : i32 to index
      %swap3A_580 = arith.constant 0 : index
      %swap3A_581 = vector.load %arg6[%swap3A_579, %swap3A_580] : memref<512x1xf32, #tpu.memory_space<vmem>>, vector<1x1xf32>
      tpu.vector_store %arg6[%swap3A_579, %swap3A_580], %reshape3A_574 {strides = array<i32>} : memref<512x1xf32, #tpu.memory_space<vmem>>, vector<1x1xf32>,
      %slice3A_582 = vector.extract_strided_slice %broadcast_in_dim3A_307 {offsets = [7, 0], sizes = [1, 1], strides = [1, 1]} : vector<8x1xf32> to vector<1x1xf32>
      %reduce_min3A_583 = vector.shape_cast %slice3A_582 : vector<1x1xf32> to vector<1x1x1xf32>
      %reduce_min3A_584 = arith.constant dense<0x7F800000> : vector<1xf32>
      %reduce_min3A_585 = vector.multi_reduction <minimumf>, %reduce_min3A_583, %reduce_min3A_584 [1, 2] : vector<1x1x1xf32> to vector<1xf32>
      %reduce_min3A_586 = vector.shape_cast %reduce_min3A_585 : vector<1xf32> to vector<1x1x1xf32>
      %reduce_min3A_587 = vector.extract %reduce_min3A_586[0, 0, 0] : f32 from vector<1x1x1xf32>
      %slice3A_588 = vector.extract_strided_slice %get3A_310 {offsets = [7, 0], sizes = [1, 1], strides = [1, 1]} : vector<8x8xf32> to vector<1x1xf32>
      %reduce_min3A_589 = vector.shape_cast %slice3A_588 : vector<1x1xf32> to vector<1x1x1xf32>
      %reduce_min3A_590 = arith.constant dense<0x7F800000> : vector<1xf32>
      %reduce_min3A_591 = vector.multi_reduction <minimumf>, %reduce_min3A_589, %reduce_min3A_590 [1, 2] : vector<1x1x1xf32> to vector<1xf32>
      %reduce_min3A_592 = vector.shape_cast %reduce_min3A_591 : vector<1xf32> to vector<1x1x1xf32>
      %reduce_min3A_593 = vector.extract %reduce_min3A_592[0, 0, 0] : f32 from vector<1x1x1xf32>
      %add3A_594 = arith.addf %add3A_573, %reduce_min3A_593 : f32
      %min3A_595 = arith.minimumf %reduce_min3A_587, %add3A_594 : f32
      %slice3A_596 = vector.extract_strided_slice %get3A_310 {offsets = [7, 1], sizes = [1, 1], strides = [1, 1]} : vector<8x8xf32> to vector<1x1xf32>
      %reduce_min3A_597 = vector.shape_cast %slice3A_596 : vector<1x1xf32> to vector<1x1x1xf32>
      %reduce_min3A_598 = arith.constant dense<0x7F800000> : vector<1xf32>
      %reduce_min3A_599 = vector.multi_reduction <minimumf>, %reduce_min3A_597, %reduce_min3A_598 [1, 2] : vector<1x1x1xf32> to vector<1xf32>
      %reduce_min3A_600 = vector.shape_cast %reduce_min3A_599 : vector<1xf32> to vector<1x1x1xf32>
      %reduce_min3A_601 = vector.extract %reduce_min3A_600[0, 0, 0] : f32 from vector<1x1x1xf32>
      %add3A_602 = arith.addf %add3A_510, %reduce_min3A_601 : f32
      %min3A_603 = arith.minimumf %min3A_595, %add3A_602 : f32
      %slice3A_604 = vector.extract_strided_slice %get3A_310 {offsets = [7, 2], sizes = [1, 1], strides = [1, 1]} : vector<8x8xf32> to vector<1x1xf32>
      %reduce_min3A_605 = vector.shape_cast %slice3A_604 : vector<1x1xf32> to vector<1x1x1xf32>
      %reduce_min3A_606 = arith.constant dense<0x7F800000> : vector<1xf32>
      %reduce_min3A_607 = vector.multi_reduction <minimumf>, %reduce_min3A_605, %reduce_min3A_606 [1, 2] : vector<1x1x1xf32> to vector<1xf32>
      %reduce_min3A_608 = vector.shape_cast %reduce_min3A_607 : vector<1xf32> to vector<1x1x1xf32>
      %reduce_min3A_609 = vector.extract %reduce_min3A_608[0, 0, 0] : f32 from vector<1x1x1xf32>
      %add3A_610 = arith.addf %add3A_455, %reduce_min3A_609 : f32
      %min3A_611 = arith.minimumf %min3A_603, %add3A_610 : f32
      %slice3A_612 = vector.extract_strided_slice %get3A_310 {offsets = [7, 3], sizes = [1, 1], strides = [1, 1]} : vector<8x8xf32> to vector<1x1xf32>
      %reduce_min3A_613 = vector.shape_cast %slice3A_612 : vector<1x1xf32> to vector<1x1x1xf32>
      %reduce_min3A_614 = arith.constant dense<0x7F800000> : vector<1xf32>
      %reduce_min3A_615 = vector.multi_reduction <minimumf>, %reduce_min3A_613, %reduce_min3A_614 [1, 2] : vector<1x1x1xf32> to vector<1xf32>
      %reduce_min3A_616 = vector.shape_cast %reduce_min3A_615 : vector<1xf32> to vector<1x1x1xf32>
      %reduce_min3A_617 = vector.extract %reduce_min3A_616[0, 0, 0] : f32 from vector<1x1x1xf32>
      %add3A_618 = arith.addf %add3A_408, %reduce_min3A_617 : f32
      %min3A_619 = arith.minimumf %min3A_611, %add3A_618 : f32
      %slice3A_620 = vector.extract_strided_slice %get3A_310 {offsets = [7, 4], sizes = [1, 1], strides = [1, 1]} : vector<8x8xf32> to vector<1x1xf32>
      %reduce_min3A_621 = vector.shape_cast %slice3A_620 : vector<1x1xf32> to vector<1x1x1xf32>
      %reduce_min3A_622 = arith.constant dense<0x7F800000> : vector<1xf32>
      %reduce_min3A_623 = vector.multi_reduction <minimumf>, %reduce_min3A_621, %reduce_min3A_622 [1, 2] : vector<1x1x1xf32> to vector<1xf32>
      %reduce_min3A_624 = vector.shape_cast %reduce_min3A_623 : vector<1xf32> to vector<1x1x1xf32>
      %reduce_min3A_625 = vector.extract %reduce_min3A_624[0, 0, 0] : f32 from vector<1x1x1xf32>
      %add3A_626 = arith.addf %add3A_369, %reduce_min3A_625 : f32
      %min3A_627 = arith.minimumf %min3A_619, %add3A_626 : f32
      %slice3A_628 = vector.extract_strided_slice %get3A_310 {offsets = [7, 5], sizes = [1, 1], strides = [1, 1]} : vector<8x8xf32> to vector<1x1xf32>
      %reduce_min3A_629 = vector.shape_cast %slice3A_628 : vector<1x1xf32> to vector<1x1x1xf32>
      %reduce_min3A_630 = arith.constant dense<0x7F800000> : vector<1xf32>
      %reduce_min3A_631 = vector.multi_reduction <minimumf>, %reduce_min3A_629, %reduce_min3A_630 [1, 2] : vector<1x1x1xf32> to vector<1xf32>
      %reduce_min3A_632 = vector.shape_cast %reduce_min3A_631 : vector<1xf32> to vector<1x1x1xf32>
      %reduce_min3A_633 = vector.extract %reduce_min3A_632[0, 0, 0] : f32 from vector<1x1x1xf32>
      %add3A_634 = arith.addf %add3A_338, %reduce_min3A_633 : f32
      %min3A_635 = arith.minimumf %min3A_627, %add3A_634 : f32
      %slice3A_636 = vector.extract_strided_slice %get3A_310 {offsets = [7, 6], sizes = [1, 1], strides = [1, 1]} : vector<8x8xf32> to vector<1x1xf32>
      %reduce_min3A_637 = vector.shape_cast %slice3A_636 : vector<1x1xf32> to vector<1x1x1xf32>
      %reduce_min3A_638 = arith.constant dense<0x7F800000> : vector<1xf32>
      %reduce_min3A_639 = vector.multi_reduction <minimumf>, %reduce_min3A_637, %reduce_min3A_638 [1, 2] : vector<1x1x1xf32> to vector<1xf32>
      %reduce_min3A_640 = vector.shape_cast %reduce_min3A_639 : vector<1xf32> to vector<1x1x1xf32>
      %reduce_min3A_641 = vector.extract %reduce_min3A_640[0, 0, 0] : f32 from vector<1x1x1xf32>
      %add3A_642 = arith.addf %add3A_317, %reduce_min3A_641 : f32
      %min3A_643 = arith.minimumf %min3A_635, %add3A_642 : f32
      %add3A_644 = arith.addf %min3A_643, %get3A_6 : f32
      %reshape3A_645 = vector.broadcast %add3A_644 : f32 to vector<1x1xf32>
      %add3A_646 = arith.constant 8 : i32
      %add3A_647 = arith.addi %multiple_of3A, %add3A_646 : i32
      %sub3A_648 = arith.constant 1 : i32
      %sub3A_649 = arith.subi %add3A_647, %sub3A_648 : i32
      %swap3A_650 = arith.index_cast %sub3A_649 : i32 to index
      %swap3A_651 = arith.constant 0 : index
      %swap3A_652 = vector.load %arg6[%swap3A_650, %swap3A_651] : memref<512x1xf32, #tpu.memory_space<vmem>>, vector<1x1xf32>
      tpu.vector_store %arg6[%swap3A_650, %swap3A_651], %reshape3A_645 {strides = array<i32>} : memref<512x1xf32, #tpu.memory_space<vmem>>, vector<1x1xf32>,
      %get3A_653 = arith.index_cast %multiple_of3A : i32 to index
      %get3A_654 = arith.constant 0 : index
      %get3A_655 = vector.load %arg6[%get3A_653, %get3A_654] : memref<512x1xf32, #tpu.memory_space<vmem>>, vector<8x1xf32>
      %sub3A_656 = vector.broadcast %get3A_655 : vector<8x1xf32> to vector<8x1024xf32>
      %sub3A_657 = arith.subf %sub3A_656, %get3A_302 : vector<8x1024xf32>
      %reduce_min3A_658 = arith.constant dense<0x7F800000> : vector<1024xf32>
      %reduce_min3A_659 = vector.multi_reduction <minimumf>, %sub3A_657, %reduce_min3A_658 [0] : vector<8x1024xf32> to vector<1024xf32>
      %broadcast_in_dim3A_660 = vector.shape_cast %reduce_min3A_659 : vector<1024xf32> to vector<1x1024xf32>
      %min3A_661 = arith.minimumf %scan3A_297, %broadcast_in_dim3A_660 : vector<1x1024xf32>
      scf.yield %min3A_661 : vector<1x1024xf32>
    }
    %scan3A_158 = arith.constant 64 : i32
    %get3A_159 = arith.constant 0 : index
    %get3A_160 = arith.constant 0 : index
    %get3A_161 = vector.load %arg5[%get3A_159, %get3A_160] : memref<512x1024xf32, #tpu.memory_space<vmem>>, vector<512x1024xf32>
    %get3A_162 = arith.constant 0 : index
    %get3A_163 = arith.constant 0 : index
    %get3A_164 = vector.load %arg6[%get3A_162, %get3A_163] : memref<512x1xf32, #tpu.memory_space<vmem>>, vector<512x1xf32>
    %sub3A_165 = vector.broadcast %get3A_164 : vector<512x1xf32> to vector<512x1024xf32>
    %sub3A_166 = arith.subf %sub3A_165, %get3A_161 : vector<512x1024xf32>
    %broadcast_in_dim3A_167 = arith.constant 0.000000e+00 : f32
    %broadcast_in_dim3A_168 = vector.broadcast %broadcast_in_dim3A_167 : f32 to vector<1x1024xf32>
    %slice3A_169 = vector.extract_strided_slice %sub3A_166 {offsets = [0, 0], sizes = [511, 1024], strides = [1, 1]} : vector<512x1024xf32> to vector<511x1024xf32>
    %concatenate3A_170 = tpu.concatenate %broadcast_in_dim3A_168, %slice3A_169 in 0 : vector<1x1024xf32>, vector<511x1024xf32> -> vector<512x1024xf32>
    %iota3A = tpu.iota {dimensions = array<i32: 0>} : vector<512x1024xi32>
    %broadcast_in_dim3A_171 = arith.constant 0x7F800000 : f32
    %broadcast_in_dim3A_172 = vector.broadcast %broadcast_in_dim3A_171 : f32 to vector<1x1024xf32>
    %slice3A_173 = vector.extract_strided_slice %concatenate3A_170 {offsets = [0, 0], sizes = [511, 1024], strides = [1, 1]} : vector<512x1024xf32> to vector<511x1024xf32>
    %concatenate3A_174 = tpu.concatenate %broadcast_in_dim3A_172, %slice3A_173 in 0 : vector<1x1024xf32>, vector<511x1024xf32> -> vector<512x1024xf32>
    %broadcast_in_dim3A_175 = arith.constant 0 : i32
    %broadcast_in_dim3A_176 = vector.broadcast %broadcast_in_dim3A_175 : i32 to vector<1x1024xi32>
    %slice3A_177 = vector.extract_strided_slice %iota3A {offsets = [0, 0], sizes = [511, 1024], strides = [1, 1]} : vector<512x1024xi32> to vector<511x1024xi32>
    %concatenate3A_178 = tpu.concatenate %broadcast_in_dim3A_176, %slice3A_177 in 0 : vector<1x1024xi32>, vector<511x1024xi32> -> vector<512x1024xi32>
    %le3A = arith.cmpf ole, %concatenate3A_174, %concatenate3A_170 : vector<512x1024xf32>
    %select_n3A = arith.select %le3A, %concatenate3A_174, %concatenate3A_170 : vector<512x1024xi1>, vector<512x1024xf32>
    %select_n3A_179 = arith.select %le3A, %concatenate3A_178, %iota3A : vector<512x1024xi1>, vector<512x1024xi32>
    %broadcast_in_dim3A_180 = arith.constant 0x7F800000 : f32
    %broadcast_in_dim3A_181 = vector.broadcast %broadcast_in_dim3A_180 : f32 to vector<2x1024xf32>
    %slice3A_182 = vector.extract_strided_slice %select_n3A {offsets = [0, 0], sizes = [510, 1024], strides = [1, 1]} : vector<512x1024xf32> to vector<510x1024xf32>
    %concatenate3A_183 = tpu.concatenate %broadcast_in_dim3A_181, %slice3A_182 in 0 : vector<2x1024xf32>, vector<510x1024xf32> -> vector<512x1024xf32>
    %broadcast_in_dim3A_184 = arith.constant 0 : i32
    %broadcast_in_dim3A_185 = vector.broadcast %broadcast_in_dim3A_184 : i32 to vector<2x1024xi32>
    %slice3A_186 = vector.extract_strided_slice %select_n3A_179 {offsets = [0, 0], sizes = [510, 1024], strides = [1, 1]} : vector<512x1024xi32> to vector<510x1024xi32>
    %concatenate3A_187 = tpu.concatenate %broadcast_in_dim3A_185, %slice3A_186 in 0 : vector<2x1024xi32>, vector<510x1024xi32> -> vector<512x1024xi32>
    %le3A_188 = arith.cmpf ole, %concatenate3A_183, %select_n3A : vector<512x1024xf32>
    %select_n3A_189 = arith.select %le3A_188, %concatenate3A_183, %select_n3A : vector<512x1024xi1>, vector<512x1024xf32>
    %select_n3A_190 = arith.select %le3A_188, %concatenate3A_187, %select_n3A_179 : vector<512x1024xi1>, vector<512x1024xi32>
    %broadcast_in_dim3A_191 = arith.constant 0x7F800000 : f32
    %broadcast_in_dim3A_192 = vector.broadcast %broadcast_in_dim3A_191 : f32 to vector<4x1024xf32>
    %slice3A_193 = vector.extract_strided_slice %select_n3A_189 {offsets = [0, 0], sizes = [508, 1024], strides = [1, 1]} : vector<512x1024xf32> to vector<508x1024xf32>
    %concatenate3A_194 = tpu.concatenate %broadcast_in_dim3A_192, %slice3A_193 in 0 : vector<4x1024xf32>, vector<508x1024xf32> -> vector<512x1024xf32>
    %broadcast_in_dim3A_195 = arith.constant 0 : i32
    %broadcast_in_dim3A_196 = vector.broadcast %broadcast_in_dim3A_195 : i32 to vector<4x1024xi32>
    %slice3A_197 = vector.extract_strided_slice %select_n3A_190 {offsets = [0, 0], sizes = [508, 1024], strides = [1, 1]} : vector<512x1024xi32> to vector<508x1024xi32>
    %concatenate3A_198 = tpu.concatenate %broadcast_in_dim3A_196, %slice3A_197 in 0 : vector<4x1024xi32>, vector<508x1024xi32> -> vector<512x1024xi32>
    %le3A_199 = arith.cmpf ole, %concatenate3A_194, %select_n3A_189 : vector<512x1024xf32>
    %select_n3A_200 = arith.select %le3A_199, %concatenate3A_194, %select_n3A_189 : vector<512x1024xi1>, vector<512x1024xf32>
    %select_n3A_201 = arith.select %le3A_199, %concatenate3A_198, %select_n3A_190 : vector<512x1024xi1>, vector<512x1024xi32>
    %broadcast_in_dim3A_202 = arith.constant 0x7F800000 : f32
    %broadcast_in_dim3A_203 = vector.broadcast %broadcast_in_dim3A_202 : f32 to vector<8x1024xf32>
    %slice3A_204 = vector.extract_strided_slice %select_n3A_200 {offsets = [0, 0], sizes = [504, 1024], strides = [1, 1]} : vector<512x1024xf32> to vector<504x1024xf32>
    %concatenate3A_205 = tpu.concatenate %broadcast_in_dim3A_203, %slice3A_204 in 0 : vector<8x1024xf32>, vector<504x1024xf32> -> vector<512x1024xf32>
    %broadcast_in_dim3A_206 = arith.constant 0 : i32
    %broadcast_in_dim3A_207 = vector.broadcast %broadcast_in_dim3A_206 : i32 to vector<8x1024xi32>
    %slice3A_208 = vector.extract_strided_slice %select_n3A_201 {offsets = [0, 0], sizes = [504, 1024], strides = [1, 1]} : vector<512x1024xi32> to vector<504x1024xi32>
    %concatenate3A_209 = tpu.concatenate %broadcast_in_dim3A_207, %slice3A_208 in 0 : vector<8x1024xi32>, vector<504x1024xi32> -> vector<512x1024xi32>
    %le3A_210 = arith.cmpf ole, %concatenate3A_205, %select_n3A_200 : vector<512x1024xf32>
    %select_n3A_211 = arith.select %le3A_210, %concatenate3A_205, %select_n3A_200 : vector<512x1024xi1>, vector<512x1024xf32>
    %select_n3A_212 = arith.select %le3A_210, %concatenate3A_209, %select_n3A_201 : vector<512x1024xi1>, vector<512x1024xi32>
    %broadcast_in_dim3A_213 = arith.constant 0x7F800000 : f32
    %broadcast_in_dim3A_214 = vector.broadcast %broadcast_in_dim3A_213 : f32 to vector<16x1024xf32>
    %slice3A_215 = vector.extract_strided_slice %select_n3A_211 {offsets = [0, 0], sizes = [496, 1024], strides = [1, 1]} : vector<512x1024xf32> to vector<496x1024xf32>
    %concatenate3A_216 = tpu.concatenate %broadcast_in_dim3A_214, %slice3A_215 in 0 : vector<16x1024xf32>, vector<496x1024xf32> -> vector<512x1024xf32>
    %broadcast_in_dim3A_217 = arith.constant 0 : i32
    %broadcast_in_dim3A_218 = vector.broadcast %broadcast_in_dim3A_217 : i32 to vector<16x1024xi32>
    %slice3A_219 = vector.extract_strided_slice %select_n3A_212 {offsets = [0, 0], sizes = [496, 1024], strides = [1, 1]} : vector<512x1024xi32> to vector<496x1024xi32>
    %concatenate3A_220 = tpu.concatenate %broadcast_in_dim3A_218, %slice3A_219 in 0 : vector<16x1024xi32>, vector<496x1024xi32> -> vector<512x1024xi32>
    %le3A_221 = arith.cmpf ole, %concatenate3A_216, %select_n3A_211 : vector<512x1024xf32>
    %select_n3A_222 = arith.select %le3A_221, %concatenate3A_216, %select_n3A_211 : vector<512x1024xi1>, vector<512x1024xf32>
    %select_n3A_223 = arith.select %le3A_221, %concatenate3A_220, %select_n3A_212 : vector<512x1024xi1>, vector<512x1024xi32>
    %broadcast_in_dim3A_224 = arith.constant 0x7F800000 : f32
    %broadcast_in_dim3A_225 = vector.broadcast %broadcast_in_dim3A_224 : f32 to vector<32x1024xf32>
    %slice3A_226 = vector.extract_strided_slice %select_n3A_222 {offsets = [0, 0], sizes = [480, 1024], strides = [1, 1]} : vector<512x1024xf32> to vector<480x1024xf32>
    %concatenate3A_227 = tpu.concatenate %broadcast_in_dim3A_225, %slice3A_226 in 0 : vector<32x1024xf32>, vector<480x1024xf32> -> vector<512x1024xf32>
    %broadcast_in_dim3A_228 = arith.constant 0 : i32
    %broadcast_in_dim3A_229 = vector.broadcast %broadcast_in_dim3A_228 : i32 to vector<32x1024xi32>
    %slice3A_230 = vector.extract_strided_slice %select_n3A_223 {offsets = [0, 0], sizes = [480, 1024], strides = [1, 1]} : vector<512x1024xi32> to vector<480x1024xi32>
    %concatenate3A_231 = tpu.concatenate %broadcast_in_dim3A_229, %slice3A_230 in 0 : vector<32x1024xi32>, vector<480x1024xi32> -> vector<512x1024xi32>
    %le3A_232 = arith.cmpf ole, %concatenate3A_227, %select_n3A_222 : vector<512x1024xf32>
    %select_n3A_233 = arith.select %le3A_232, %concatenate3A_227, %select_n3A_222 : vector<512x1024xi1>, vector<512x1024xf32>
    %select_n3A_234 = arith.select %le3A_232, %concatenate3A_231, %select_n3A_223 : vector<512x1024xi1>, vector<512x1024xi32>
    %broadcast_in_dim3A_235 = arith.constant 0x7F800000 : f32
    %broadcast_in_dim3A_236 = vector.broadcast %broadcast_in_dim3A_235 : f32 to vector<64x1024xf32>
    %slice3A_237 = vector.extract_strided_slice %select_n3A_233 {offsets = [0, 0], sizes = [448, 1024], strides = [1, 1]} : vector<512x1024xf32> to vector<448x1024xf32>
    %concatenate3A_238 = tpu.concatenate %broadcast_in_dim3A_236, %slice3A_237 in 0 : vector<64x1024xf32>, vector<448x1024xf32> -> vector<512x1024xf32>
    %broadcast_in_dim3A_239 = arith.constant 0 : i32
    %broadcast_in_dim3A_240 = vector.broadcast %broadcast_in_dim3A_239 : i32 to vector<64x1024xi32>
    %slice3A_241 = vector.extract_strided_slice %select_n3A_234 {offsets = [0, 0], sizes = [448, 1024], strides = [1, 1]} : vector<512x1024xi32> to vector<448x1024xi32>
    %concatenate3A_242 = tpu.concatenate %broadcast_in_dim3A_240, %slice3A_241 in 0 : vector<64x1024xi32>, vector<448x1024xi32> -> vector<512x1024xi32>
    %le3A_243 = arith.cmpf ole, %concatenate3A_238, %select_n3A_233 : vector<512x1024xf32>
    %select_n3A_244 = arith.select %le3A_243, %concatenate3A_238, %select_n3A_233 : vector<512x1024xi1>, vector<512x1024xf32>
    %select_n3A_245 = arith.select %le3A_243, %concatenate3A_242, %select_n3A_234 : vector<512x1024xi1>, vector<512x1024xi32>
    %broadcast_in_dim3A_246 = arith.constant 0x7F800000 : f32
    %broadcast_in_dim3A_247 = vector.broadcast %broadcast_in_dim3A_246 : f32 to vector<128x1024xf32>
    %slice3A_248 = vector.extract_strided_slice %select_n3A_244 {offsets = [0, 0], sizes = [384, 1024], strides = [1, 1]} : vector<512x1024xf32> to vector<384x1024xf32>
    %concatenate3A_249 = tpu.concatenate %broadcast_in_dim3A_247, %slice3A_248 in 0 : vector<128x1024xf32>, vector<384x1024xf32> -> vector<512x1024xf32>
    %broadcast_in_dim3A_250 = arith.constant 0 : i32
    %broadcast_in_dim3A_251 = vector.broadcast %broadcast_in_dim3A_250 : i32 to vector<128x1024xi32>
    %slice3A_252 = vector.extract_strided_slice %select_n3A_245 {offsets = [0, 0], sizes = [384, 1024], strides = [1, 1]} : vector<512x1024xi32> to vector<384x1024xi32>
    %concatenate3A_253 = tpu.concatenate %broadcast_in_dim3A_251, %slice3A_252 in 0 : vector<128x1024xi32>, vector<384x1024xi32> -> vector<512x1024xi32>
    %le3A_254 = arith.cmpf ole, %concatenate3A_249, %select_n3A_244 : vector<512x1024xf32>
    %select_n3A_255 = arith.select %le3A_254, %concatenate3A_249, %select_n3A_244 : vector<512x1024xi1>, vector<512x1024xf32>
    %select_n3A_256 = arith.select %le3A_254, %concatenate3A_253, %select_n3A_245 : vector<512x1024xi1>, vector<512x1024xi32>
    %broadcast_in_dim3A_257 = arith.constant 0x7F800000 : f32
    %broadcast_in_dim3A_258 = vector.broadcast %broadcast_in_dim3A_257 : f32 to vector<256x1024xf32>
    %slice3A_259 = vector.extract_strided_slice %select_n3A_255 {offsets = [0, 0], sizes = [256, 1024], strides = [1, 1]} : vector<512x1024xf32> to vector<256x1024xf32>
    %concatenate3A_260 = tpu.concatenate %broadcast_in_dim3A_258, %slice3A_259 in 0 : vector<256x1024xf32>, vector<256x1024xf32> -> vector<512x1024xf32>
    %broadcast_in_dim3A_261 = arith.constant 0 : i32
    %broadcast_in_dim3A_262 = vector.broadcast %broadcast_in_dim3A_261 : i32 to vector<256x1024xi32>
    %slice3A_263 = vector.extract_strided_slice %select_n3A_256 {offsets = [0, 0], sizes = [256, 1024], strides = [1, 1]} : vector<512x1024xi32> to vector<256x1024xi32>
    %concatenate3A_264 = tpu.concatenate %broadcast_in_dim3A_262, %slice3A_263 in 0 : vector<256x1024xi32>, vector<256x1024xi32> -> vector<512x1024xi32>
    %le3A_265 = arith.cmpf ole, %concatenate3A_260, %select_n3A_255 : vector<512x1024xf32>
    %select_n3A_266 = arith.select %le3A_265, %concatenate3A_260, %select_n3A_255 : vector<512x1024xi1>, vector<512x1024xf32>
    %select_n3A_267 = arith.select %le3A_265, %concatenate3A_264, %select_n3A_256 : vector<512x1024xi1>, vector<512x1024xi32>
    %add3A_268 = arith.addf %get3A_161, %select_n3A_266 : vector<512x1024xf32>
    %reduce_min3A_269 = arith.constant dense<0x7F800000> : vector<512xf32>
    %reduce_min3A_270 = vector.multi_reduction <minimumf>, %add3A_268, %reduce_min3A_269 [1] : vector<512x1024xf32> to vector<512xf32>
    %broadcast_in_dim3A_271 = vector.shape_cast %reduce_min3A_270 : vector<512xf32> to vector<512x1xf32>
    %iota3A_272 = tpu.iota {dimensions = array<i32: 1>} : vector<1x1024xi32>
    %eq3A = vector.broadcast %broadcast_in_dim3A_271 : vector<512x1xf32> to vector<512x1024xf32>
    %eq3A_273 = arith.cmpf oeq, %add3A_268, %eq3A : vector<512x1024xf32>
    %jit3A = arith.constant 1024 : i32
    %broadcast_in_dim3A_274 = vector.shape_cast %iota3A_272 : vector<1x1024xi32> to vector<1x1024xi32>
    %broadcast_in_dim3A_275 = vector.broadcast %broadcast_in_dim3A_274 : vector<1x1024xi32> to vector<512x1024xi32>
    %broadcast_in_dim3A_276 = vector.broadcast %jit3A : i32 to vector<512x1024xi32>
    %select_n3A_277 = arith.select %eq3A_273, %broadcast_in_dim3A_275, %broadcast_in_dim3A_276 : vector<512x1024xi1>, vector<512x1024xi32>
    %reduce_min3A_278 = arith.constant dense<2147483647> : vector<512xi32>
    %reduce_min3A_279 = vector.multi_reduction <minsi>, %select_n3A_277, %reduce_min3A_278 [1] : vector<512x1024xi32> to vector<512xi32>
    %broadcast_in_dim3A_280 = vector.shape_cast %reduce_min3A_279 : vector<512xi32> to vector<512x1xi32>
    %eq3A_281 = vector.broadcast %iota3A_272 : vector<1x1024xi32> to vector<512x1024xi32>
    %eq3A_282 = vector.broadcast %broadcast_in_dim3A_280 : vector<512x1xi32> to vector<512x1024xi32>
    %eq3A_283 = arith.cmpi eq, %eq3A_281, %eq3A_282 : vector<512x1024xi32>
    %jit3A_284 = arith.constant 1073741824 : i32
    %broadcast_in_dim3A_285 = vector.broadcast %jit3A_284 : i32 to vector<512x1024xi32>
    %select_n3A_286 = arith.select %eq3A_283, %select_n3A_267, %broadcast_in_dim3A_285 : vector<512x1024xi1>, vector<512x1024xi32>
    %reduce_min3A_287 = arith.constant dense<2147483647> : vector<512xi32>
    %reduce_min3A_288 = vector.multi_reduction <minsi>, %select_n3A_286, %reduce_min3A_287 [1] : vector<512x1024xi32> to vector<512xi32>
    %broadcast_in_dim3A_289 = vector.shape_cast %reduce_min3A_288 : vector<512xi32> to vector<512x1xi32>
    %swap3A_290 = arith.constant 0 : index
    %swap3A_291 = arith.constant 0 : index
    %swap3A_292 = vector.load %arg3[%swap3A_290, %swap3A_291] : memref<512x1xi32, #tpu.memory_space<vmem>>, vector<512x1xi32>
    tpu.vector_store %arg3[%swap3A_290, %swap3A_291], %broadcast_in_dim3A_289 {strides = array<i32>} : memref<512x1xi32, #tpu.memory_space<vmem>>, vector<512x1xi32>,
    %swap3A_293 = arith.constant 0 : index
    %swap3A_294 = arith.constant 0 : index
    %swap3A_295 = vector.load %arg4[%swap3A_293, %swap3A_294] : memref<512x1xi32, #tpu.memory_space<vmem>>, vector<512x1xi32>
    tpu.vector_store %arg4[%swap3A_293, %swap3A_294], %broadcast_in_dim3A_280 {strides = array<i32>} : memref<512x1xi32, #tpu.memory_space<vmem>>, vector<512x1xi32>,
    return
  }
}

</mosaic_0001>

<sc_bundles>
// kernel: kernel.4.cloned.1.call-start
scs
__scs_entry_jumppad:
0x0: {  	(pc) =	sbr.rel $0x88, $3  }
0x1: {  	(tag) =	ssettag $0x0;
	lr =	simm.s32 $0x1  }
0x2: {  	[smem:$0x3F9E] =	sst lr;
	_ =	strace $0xD0000000  }
0x3: {  	_ = 	snop  }
0x4: {  	_ = 	snop  }
0x5: {  	_ = 	snop  }
0x6: {  	_ = 	snop  }
0x7: {  	_ = 	snop  }
__scs_overlays_trampoline_lowered:
0x8: {  	[smem:$0x3FAD] =	sst s0  }
0x9: {  	[smem:$0x3FAE] =	sst s1  }
0xa: {  	[smem:$0x3FAF] =	sst s2  }
0xb: {  	[smem:$0x3FB0] =	sst s3  }
0xc: {  	[smem:$0x3FB1] =	sst s4  }
0xd: {  	[smem:$0x3FB2] =	sst s5  }
0xe: {  	[smem:$0x3FB3] =	sst s6  }
0xf: {  	[smem:$0x3FB4] =	sst s7  }
0x10: {  	[smem:$0x3FB5] =	sst s8  }
0x11: {  	[smem:$0x3FB6] =	sst s9;
	s0 =	simm.s32 @!p0 $0x0  }
0x12: {  	s1 =	sld [smem:$0x3F9C];
	s0 =	simm.s32 @p0 $0x1  }
0x13: {  	[smem:$0x3FB7] =	sst s0;
	s0 =	simm.s32 @!p1 $0x0  }
0x14: {  	s2 =	sld [smem:$0x3F9B];
	s0 =	simm.s32 @p1 $0x1  }
0x15: {  	[smem:$0x3FB8] =	sst s0;
	s0 =	simm.s32 @!p2 $0x0  }
0x16: {  	s3 =	sld [smem:$0x3FDB];
	s0 =	simm.s32 @p2 $0x1  }
0x17: {  	s4 =	simm.s32 $0x1BF5;
	[smem:$0x3FBA] =	sst s0  }
0x18: {  	s0 =	sld [smem:$0x3F9D];
	_ =	swait.ge [sflag:s4], $0x0  }
0x19: {  	s7 =	sld [smem:$0x3F9E]  }
0x1a: {  	s8 =	sadd.s32 $0xFFFFE003, lr  }
0x1b: {  	s9 =	sadd.s32 $0xFFFFFEF7, lr;
	s5 =	simm.s32 $0xFFFFFFFF;
	p2 =	slt.u32 s8, $0xFFFFF086  }
0x1c: {  	p1 =	slt.u32 s9, $0xF7A;
	s5 =	simm.s32 @!p2 $0x0  }
0x1d: {  	s5 =	simm.s32 @p1 $0x1;
	p0 =	seq.s32 s7, s2  }
0x1e: {  	s7 =	smul.u32 @!p0 $0xF7A, s2;
	p2 =	seq.s32 @!p0 s5, $0x0  }
0x1f: {  	s9 =	smul.u32 $0xF7A, s1;
	s8 =	simm.s32 @!p0 $0x1BF5;
	p2 =	por !p2, p0  }
0x20: {  	[sflag:s8] =	ssyncset.s32 @!p0 $0xFFFFF086;
	s6 =	sadd.s32 @!p0 s3, s7;
	s7 =	simm.s32 @!p0 $0x108  }
0x21: {  	s3 =	sadd.s32 s3, s9;
	s6 =	sadd.s32 @!p0 $0x88, s6;
	s7 =	simm.s32 @p2 $0x1082  }
0x22: {  	[simem:s7], [sflag:s8] =	dma.local @!p0 [hbm:s6], $0xF7A  }
0x23: {  	s9 =	sor.u32 $0xD0000000, s2;
	s6 =	simm.s32 $0x108;
	_ =	swait.ge @!p0 [sflag:s8], $0x0  }
0x24: {  	s3 =	sadd.s32 $0x88, s3;
	s6 =	simm.s32 @!p1 $0x1082;
	[sflag:s4] =	ssyncset.s32 $0xFFFFF086  }
0x25: {  	[simem:s6], [sflag:s4] =	dma.local [hbm:s3], $0xF7A  }
0x26: {  	[smem:$0x3F9E] =	sst s1;
	(tag) =	ssettag s2;
	_ =	strace s9  }
0x27: {  	s1 =	sld [smem:$0x3FAE]  }
0x28: {  	s2 =	sld [smem:$0x3FAF]  }
0x29: {  	s4 =	sld [smem:$0x3FB1]  }
0x2a: {  	p0 =	seq.s32 s5, $0x0;
	s5 =	sld [smem:$0x3FB2]  }
0x2b: {  	s6 =	sld [smem:$0x3FB3]  }
0x2c: {  	s7 =	sld [smem:$0x3FB4]  }
0x2d: {  	s3 =	simm.s32 $0x108;
	s8 =	sld [smem:$0x3FB5]  }
0x2e: {  	s3 =	simm.s32 @!p0 $0x1082;
	s9 =	sld [smem:$0x3FB6]  }
0x2f: {  	lr =	sadd.s32 s0, s3;
	s0 =	sld [smem:$0x3FAD]  }
0x30: {  	s3 =	sld [smem:$0x3FB0]  }
0x31: {  	[smem:$0x3FB9] =	sst s10  }
0x32: {  	s10 =	sld [smem:$0x3FB7];
	_ =	sdelay $0x3  }
0x33: {  	p0 =	seq.s32 s10, $0x1;
	s10 =	sld [smem:$0x3FB9];
	_ =	sdelay $0x3  }
0x34: {  	[smem:$0x3FB9] =	sst s10  }
0x35: {  	s10 =	sld [smem:$0x3FB8];
	_ =	sdelay $0x3  }
0x36: {  	p1 =	seq.s32 s10, $0x1;
	s10 =	sld [smem:$0x3FB9];
	_ =	sdelay $0x3  }
0x37: {  	[smem:$0x3FB9] =	sst s10  }
0x38: {  	s10 =	sld [smem:$0x3FBA]  }
0x39: {  	_ = 	snop;
	(pc) =	sbr.ind lr, $3  }
0x3a: {  	_ = 	snop  }
0x3b: {  	_ = 	snop  }
0x3c: {  	p2 =	seq.s32 s10, $0x1;
	s10 =	sld [smem:$0x3FB9]  }
0x3d: {  	_ =	shalt  }
0x3e: {  	_ =	shalt  }
0x3f: {  	_ =	shalt  }
0x40: {  	_ =	shalt  }
0x41: {  	_ =	shalt  }
0x42: {  	_ =	shalt  }
0x43: {  	_ =	shalt  }
0x44: {  	_ =	shalt  }
0x45: {  	_ =	shalt  }
0x46: {  	_ =	shalt  }
0x47: {  	_ =	shalt  }
0x48: {  	_ =	shalt  }
0x49: {  	_ =	shalt  }
0x4a: {  	_ =	shalt  }
0x4b: {  	_ =	shalt  }
0x4c: {  	_ =	shalt  }
0x4d: {  	_ =	shalt  }
0x4e: {  	_ =	shalt  }
0x4f: {  	_ =	shalt  }
0x50: {  	_ =	shalt  }
0x51: {  	_ =	shalt  }
0x52: {  	_ =	shalt  }
0x53: {  	_ =	shalt  }
0x54: {  	_ =	shalt  }
0x55: {  	_ =	shalt  }
0x56: {  	_ =	shalt  }
0x57: {  	_ =	shalt  }
0x58: {  	_ =	shalt  }
0x59: {  	_ =	shalt  }
0x5a: {  	_ =	shalt  }
0x5b: {  	_ =	shalt  }
0x5c: {  	_ =	shalt  }
0x5d: {  	_ =	shalt  }
0x5e: {  	_ =	shalt  }
0x5f: {  	_ =	shalt  }
0x60: {  	_ =	shalt  }
0x61: {  	_ =	shalt  }
0x62: {  	_ =	shalt  }
0x63: {  	_ =	shalt  }
0x64: {  	_ =	shalt  }
0x65: {  	_ =	shalt  }
0x66: {  	_ =	shalt  }
0x67: {  	_ =	shalt  }
0x68: {  	_ =	shalt  }
0x69: {  	_ =	shalt  }
0x6a: {  	_ =	shalt  }
0x6b: {  	_ =	shalt  }
0x6c: {  	_ =	shalt  }
0x6d: {  	_ =	shalt  }
0x6e: {  	_ =	shalt  }
0x6f: {  	_ =	shalt  }
0x70: {  	_ =	shalt  }
0x71: {  	_ =	shalt  }
0x72: {  	_ =	shalt  }
0x73: {  	_ =	shalt  }
0x74: {  	_ =	shalt  }
0x75: {  	_ =	shalt  }
0x76: {  	_ =	shalt  }
0x77: {  	_ =	shalt  }
0x78: {  	_ =	shalt  }
0x79: {  	_ =	shalt  }
0x7a: {  	_ =	shalt  }
0x7b: {  	_ =	shalt  }
0x7c: {  	_ =	shalt  }
0x7d: {  	_ =	shalt  }
0x7e: {  	_ =	shalt  }
0x7f: {  	_ =	shalt  }
0x80: {  	_ =	shalt  }
0x81: {  	_ =	shalt  }
0x82: {  	_ =	shalt  }
0x83: {  	_ =	shalt  }
0x84: {  	_ =	shalt  }
0x85: {  	_ =	shalt  }
0x86: {  	_ =	shalt  }
0x87: {  	_ =	shalt  }
.Lfunc_end0:
.L_simem_size_0:
called_computation_lowered:
.L_overlay_start_0:
0x88: {  	s2 =	sld [smem:$0x3FD9]  }
0x89: {  	s3 =	sld [smem:$0x3FFE];
	_ =	sdelay $0x1  }
0x8a: {  	s1 =	srdreg.scid  }
0x8b: {  	s0 =	sand.u32 $0x1, s1  }
0x8c: {  	s14 =	sshll.u32 s0, $0xA;
	s2 =	sadd.s32 s3, s2  }
0x8d: {  	s2 =	sadd.s32 s2, s14  }
0x8e: {  	[smem:$0x3FC5] =	sst s2  }
0x8f: {  	_ = 	snop  }
0x90: {  	s2 =	sld [smem:$0x3FD0];
	_ =	sdelay $0x2  }
0x91: {  	s4 =	simm.s32 $0xA;
	s5 =	simm.s32 $0x10;
	s15 =	sld [smem:$0x3FC8]  }
0x92: {  	[smem:s5], [sflag:s4] =	dma.local [hbm:s2], $0x1  }
0x93: {  	_ =	swait.eq [sflag:s4], $0x1  }
0x94: {  	[sflag:s4] =	ssyncset.done $0x0  }
0x95: {  	s16 =	sld [smem:$0x10];
	[sflag:s4] =	ssyncadd.s32 $0xFFFFFFFF  }
0x96: {  	s17 =	sld [smem:$0x11];
	(tm) =	ssettm $0x1  }
0x97: {  	s18 =	sld [smem:$0x3FFB];
	_ =	sdelay $0x3  }
0x98: {  	_ =	strace s18  }
0x99: {  	s5 =	sld [smem:$0x3FFC];
	_ =	sdelay $0x3  }
0x9a: {  	_ =	strace s5  }
0x9b: {  	s5 =	sld [smem:$0x3FFD];
	_ =	sdelay $0x3  }
0x9c: {  	_ =	strace s5  }
0x9d: {  	_ =	strace $0x8FFFFFFF  }
0x9e: {  	s19 =	sld [smem:$0x3FDB];
	_ =	sdelay $0x1  }
0x9f: {  	s6 =	simm.s32 $_scs_section_size  }
0xa0: {  	s7 =	simm.s32 $_size__tile_overlayer_lowered;
	s8 =	simm.s32 $_tile_overlayer_lowered  }
0xa1: {  	s22 =	simm.s32 $0x1BFF;
	s21 =	sshll.u32 s8, $0x1;
	s5 =	sadd.s32 s6, s19  }
0xa2: {  	s9 =	simm.s32 $0x0;
	s20 =	sshll.u32 s7, $0x1;
	s7 =	sadd.s32 s21, s5  }
0xa3: {  	[timem:s9], [sflag:s22] =	dma.local [hbm:s7], s20  }
0xa4: {  	_ =	swait.ge [sflag:s22], s20  }
0xa5: {  	s6 =	ssub.s32 $0x0, s20;
	[sflag:s22] =	ssyncset.done $0x0  }
0xa6: {  	[sflag:s22] =	ssyncadd.s32 s6;
	_ =	sdelay $0x1  }
0xa7: {  	s23 =	simm.s32 $0x1B8B  }
0xa8: {  	_ =	swait.ge [sflag:s23], $0x1  }
0xa9: {  	[sflag:s23] =	ssyncset.done $0x0  }
0xaa: {  	s25 =	simm.s32 $0x1B8E;
	s24 =	sld [smem:$0x3FFE];
	[sflag:s23] =	ssyncadd.s32 $0xFFFFFFFF  }
0xab: {  	s26 =	simm.s32 $execute0_lowered;
	[smem:$0x3FD2] =	sst s25  }
0xac: {  	s7 =	sshll.u32 s26, $0x1;
	_ =	strace $0x80000046;
	[dreg:$0x1] =	wrdreg $0xFFFFFFFF  }
0xad: {  	s28 =	simm.s32 $_size_execute0_lowered;
	s5 =	sadd.s32 s5, s7;
	[dreg:$0x0] =	wrdreg $0x0  }
0xae: {  	s7 =	sshll.u32 s28, $0x1;
	[dreg:$0x2] =	wrdreg s5  }
0xaf: {  	[dreg:$0x3] =	wrdreg s7  }
0xb0: {  	[dreg:$0x4] =	wrdreg $0xC0  }
0xb1: {  	_ =	task [dreg:s9], $0x5FFFF  }
0xb2: {  	[dreg:$0x1] =	wrdreg $0xFFFFFFFF  }
0xb3: {  	[dreg:$0x0] =	wrdreg $0x60  }
0xb4: {  	[dreg:$0x2] =	wrdreg s24  }
0xb5: {  	[dreg:$0x3] =	wrdreg s15  }
0xb6: {  	[dreg:$0x4] =	wrdreg s17  }
0xb7: {  	[dreg:$0x5] =	wrdreg s16  }
0xb8: {  	[dreg:$0x6] =	wrdreg $0x9  }
0xb9: {  	_ =	task.clear_ibuf [dreg:s9], $0x7FFFF;
	_ =	strace $0x90000046  }
0xba: {  	s29 =	simm.s32 $0x9;
	_ =	strace $0x80000048  }
0xbb: {  	_ =	swait.ge [sflag:s29], $0x1  }
0xbc: {  	[sflag:s29] =	ssyncadd.s32 $0xFFFFFFFF  }
0xbd: {  	_ =	strace $0x90000048  }
0xbe: {  	_ =	sfence  }
0xbf: {  	s30 =	sld [smem:$0x0];
	_ =	sdelay $0x2  }
0xc0: {  	s31 =	sshll.u32 s1, $0xD;
	s1 =	sshrl.u32 s1, $0x2  }
0xc1: {  	s3 =	sand.u32 $0x4000, s31;
	s1 =	sadd.s32 s1, s30  }
0xc2: {  	s0 =	sor.u32 s3, s0;
	s1 =	sshll.u32 s1, $0x11  }
0xc3: {  	s0 =	sor.u32 s1, s0  }
0xc4: {  	s0 =	sadd.s32 $0x8F2B, s0  }
0xc5: {  	[sflag:s0] =	ssyncadd.remote.s32 $0x1  }
0xc6: {  	_ =	sfence.sel $0xFFFF  }
0xc7: {  	[dreg:$0x0] =	wrdreg $0xFFFFFFFF;
	(pc) =	sbr.abs _section_cstart, $3  }
0xc8: {  	[dreg:$0x1] =	wrdreg $0xFFFFFFFF  }
0xc9: {  	_ =	task.clear_ibuf [dreg:s9], $0x2FFFF;
	_ =	strace $0x9FFFFFFF  }
0xca: {  	(tm) =	ssettm $0x7FFFFFFF  }
0xcb: {  	_ =	shalt  }
tec
execute0_lowered:
.L_overlay_start_1:
0x0: {  	(tag) =	ssettag $0x1  }
0x1: {  	s4 =	rddreg [dreg:$0x0]  }
0x2: {  	s1 =	rddreg [dreg:$0x1]  }
0x3: {  	s2 =	rddreg [dreg:$0x2]  }
0x4: {  	s8 =	rddreg [dreg:$0x3];
	s5 =	srdreg.scid  }
0x5: {  	s0 =	rddreg [dreg:$0x4];
	s3 =	simm.s32 $0x0;
	s13 =	simm.s32 $0x0  }
0x6: {  	s11 =	sand.u32 $0x1, s5;
	[smem:$0x7FF] =	sst s3;
	s5 =	sadd.s32 $0x400, s4  }
0x7: {  	s6 =	sadd.s32 $0x600, s4;
	s4 =	stileid.u32;
	s7 =	ssub.s32 $0x2, s11  }
.Ltmp0:
0x8: {  	_ =	strace $0x80000047;
	s10 =	sor.u32 s4, s11;
	(pc) =	sbr.rel .LBB2_1-.Ltmp0, $4  }
0x9: {  	s31 =	sshll.u32 s4, $0x2;
	s12 =	sshll.u32 s4, $0xA;
	p1 =	sne.s32 s11, $0x0  }
0xa: {  	s11 =	simm.s32 $0x280;
	s9 =	sshrl.u32 s7, $0x1;
	s8 =	sadd.s32 s8, s12  }
0xb: {  	p0 =	sne.s32 s10, $0x0;
	s10 =	simm.s32 $0x2;
	s9 =	ssub.s32 s7, s9  }
0xc: {  	v0 =	vlaneseq.u32;
	s12 =	simm.s32 $0x500;
	vm0 =	vmmov @!p1 $0xffff;
	s7 =	sadd.s32 s2, s31;
	s9 =	smax.u32 s9, $0x1  }
.LBB2_5:
0xd: {  	[bflag:$0x0] =	sbarrier.arrive @!p1 $0xFFFF;
	s14 =	simm.s32 @!p1 $0x0;
	s15 =	simm.s32 @!p1 $0x700  }
0xe: {  	[tilespmem:s15], [sflag:$0x2] =	stream.linear.gather @!p1 [hbm4b:s7+s14], $0x20, $0x38;
	[tilespmem:$0x2780] =	vst v63  }
0xf: {  	s15 =	simm.s32 @!p1 $0x2  }
0x10: {  	_ =	swait.ge @!p1 [sflag:s15], $0x20  }
0x11: {  	[sflag:s15] =	ssyncset.done @!p1 $0x0  }
0x12: {  	[sflag:s15] =	ssyncadd.s32 @!p1 $0xFFFFFFE0  }
0x13: {  	v1 =	vld @!p1 [tilespmem:$0x700];
	_ =	sdelay $0x4  }
0x14: {  	v2 =	vshll.u32 @!p1 v1, $0x1  }
0x15: {  	v3 =	vlaneseq.u32 @!p1;
	v1 =	vand.u32 @!p1 $0x7, v1;
	v2 =	vand.u32 @!p1 $0xFFFFFFF0, v2  }
0x16: {  	v4 =	vshrl.u32 @!p1 v3, $0x3;
	v1 =	vor.u32 @!p1 v1, v2;
	v2 =	vand.u32 @!p1 $0x7, v3  }
0x17: {  	v4 =	vmul.u32 @!p1 $0x8, v4;
	v5 =	vperm.xlane @!p1 v1, v2  }
0x18: {  	v3 =	vor.u32 @!p1 $0x8, v3  }
0x19: {  	v1 =	vperm.xlane @!p1 v1, v3;
	v5 =	vadd.s32 @!p1 v4, v5;
	_ =	sdelay $0x1  }
0x1a: {  	v1 =	vadd.s32 @!p1 v4, v1;
	_ =	sdelay $0x1  }
0x1b: {  	s16 =	simm.s32 @!p1 $0x780  }
0x1c: {  	[tilespmem:s16], [sflag:$0x1] =	stream.indirect_vreg.gather @!p1 [hbm4b:s1+s14], $0x80, v5, vm0, $0xb8;
	[tilespmem:$0x2780] =	vst v63  }
0x1d: {  	s17 =	simm.s32 @!p1 $0xF80  }
0x1e: {  	[tilespmem:s17], [sflag:$0x1] =	stream.indirect_vreg.gather @!p1 [hbm4b:s1+s14], $0x80, v1, vm0, $0xb8;
	[tilespmem:$0x2780] =	vst v63  }
0x1f: {  	v1 =	vld @!p1 [tilespmem:$0x710];
	_ =	sdelay $0x4  }
0x20: {  	v5 =	vshll.u32 @!p1 v1, $0x1  }
0x21: {  	v1 =	vand.u32 @!p1 $0x7, v1;
	v5 =	vand.u32 @!p1 $0xFFFFFFF0, v5  }
0x22: {  	v1 =	vor.u32 @!p1 v1, v5  }
0x23: {  	v2 =	vperm.xlane @!p1 v1, v2;
	_ =	sdelay $0x1  }
0x24: {  	v1 =	vperm.xlane @!p1 v1, v3;
	v2 =	vadd.s32 @!p1 v4, v2;
	_ =	sdelay $0x1  }
0x25: {  	v1 =	vadd.s32 @!p1 v4, v1;
	_ =	sdelay $0x1  }
0x26: {  	s17 =	simm.s32 @!p1 $0x1780  }
0x27: {  	[tilespmem:s17], [sflag:$0x1] =	stream.indirect_vreg.gather @!p1 [hbm4b:s1+s14], $0x80, v2, vm0, $0xb8;
	[tilespmem:$0x2780] =	vst v63  }
0x28: {  	s17 =	simm.s32 @!p1 $0x1F80  }
0x29: {  	[tilespmem:s17], [sflag:$0x1] =	stream.indirect_vreg.gather @!p1 [hbm4b:s1+s14], $0x80, v1, vm0, $0xb8;
	[tilespmem:$0x2780] =	vst v63  }
0x2a: {  	s17 =	simm.s32 @!p1 $0x1  }
0x2b: {  	s13 =	sadd.s32 $0x1, s13;
	_ =	swait.ge @!p1 [sflag:s17], $0x2000  }
0x2c: {  	p2 =	sne.s32 s13, s9;
	[sflag:s17] =	ssyncset.done @!p1 $0x0  }
.Ltmp1:
0x2d: {  	[sflag:s17] =	ssyncadd.s32 @!p1 $0xFFFFE000;
	(pc) =	sbr.rel @!p2 .LBB2_6-.Ltmp1, $4  }
0x2e: {  	[hbm4b:s8+s14] =	stream.linear.scatter @!p1 [tilespmem:s16], [sflag:$0x2], $0x2000, $0x38;
	[tilespmem:$0x2780] =	vst v63  }
0x2f: {  	_ =	swait.ge @!p1 [sflag:s15], $0x2000  }
0x30: {  	[sflag:s15] =	ssyncset.done @!p1 $0x0  }
0x31: {  	[sflag:s15] =	ssyncadd.s32 @!p1 $0xFFFFE000  }
.LBB2_1:
.Ltmp2:
0x32: {  	(pc) =	sbr.rel @p0 .LBB2_5-.Ltmp2, $1  }
0x33: {  	_ =	sdelay $0x3  }
0x34: {  	[tilespmem:s3], [sflag:$0x2] =	stream.linear.gather [hbm4b:s5+s3], $0x200, $0x38;
	[tilespmem:$0x2780] =	vst v63  }
0x35: {  	_ =	swait.ge [sflag:s10], $0x200  }
0x36: {  	[sflag:s10] =	ssyncset.done $0x0  }
0x37: {  	[sflag:s10] =	ssyncadd.s32 $0xFFFFFE00  }
0x38: {  	[tilespmem:s11], [sflag:$0x2] =	stream.linear.gather [hbm4b:s6+s3], $0x200, $0x38;
	[tilespmem:$0x2780] =	vst v63  }
0x39: {  	_ =	swait.ge [sflag:s10], $0x200  }
0x3a: {  	[sflag:s10] =	ssyncset.done $0x0  }
0x3b: {  	[sflag:s10] =	ssyncadd.s32 $0xFFFFFE00  }
0x3c: {  	v1 =	vld [tilespmem:$0x1FF]  }
0x3d: {  	v2 =	vld [tilespmem:$0x47F];
	_ =	sdelay $0x3  }
0x3e: {  	(v2sf) =	vpush v1, $0x0  }
0x3f: {  	(v2sf) =	vpush v2, $0x0;
	_ =	sdelay $0x8  }
0x40: {  	s16 =	simm.s32 $0x1FF  }
0x41: {  	s17 =	sand.u32 $0x1F0, s16  }
0x42: {  	v1 =	vld [tilespmem:s17+$0x500];
	_ =	sdelay $0x2  }
0x43: {  	v2 =	vor.u32 s17, v0;
	s14 =	spop (v2sf)  }
0x44: {  	vm1 =	veq.s32 v2, s16;
	s15 =	spop (v2sf);
	s16 =	sadd.s32 $0xFFFFFFFF, s14  }
0x45: {  	v1 =	vsel vm1, s15, v1;
	p2 =	sgt.s32 s16, $0x0  }
0x46: {  	[tilespmem:s17+$0x500] =	vst v1;
	s16 =	simm.s32 @!p2 $0x0  }
0x47: {  	v1 =	vld [tilespmem:s16+$0x0];
	_ =	sdelay $0x4  }
0x48: {  	(v2sf) =	vpush v1, $0x0;
	v1 =	vld [tilespmem:s16+$0x280];
	_ =	sdelay $0x4  }
0x49: {  	(v2sf) =	vpush v1, $0x0;
	_ =	sdelay $0x9  }
0x4a: {  	s16 =	simm.s32 $0x1FE  }
0x4b: {  	s17 =	sand.u32 $0x1F0, s16  }
0x4c: {  	v1 =	vld [tilespmem:s17+$0x500]  }
0x4d: {  	s18 =	simm.s32 $0x1FD;
	p3 =	seq.s32 s14, $0x1FF;
	v2 =	vor.u32 s17, v0;
	s19 =	spop (v2sf)  }
.LBB2_3:
0x4e: {  	s14 =	smov.u32 @p3 s19  }
0x4f: {  	s19 =	spop (v2sf);
	s20 =	smov.u32 s18;
	s21 =	sadd.s32 $0xFFFFFFFF, s18  }
0x50: {  	p2 =	sne.s32 s18, $0x0;
	vm1 =	veq.s32 v2, s16;
	s18 =	sadd.s32 $0xFFFFFFFF, s14;
	s15 =	smov.u32 @p3 s19  }
0x51: {  	v1 =	vsel vm1, s15, v1;
	p3 =	sgt.s32 s18, $0x0  }
0x52: {  	[tilespmem:s17+$0x500] =	vst v1;
	s18 =	simm.s32 @!p3 $0x0  }
0x53: {  	v1 =	vld [tilespmem:s18+$0x0]  }
0x54: {  	v2 =	vld [tilespmem:s18+$0x280];
	_ =	sdelay $0x3  }
0x55: {  	(v2sf) =	vpush v1, $0x0  }
0x56: {  	(v2sf) =	vpush v2, $0x0;
	_ =	sdelay $0x9  }
.Ltmp3:
0x57: {  	(pc) =	sbr.rel @p2 .LBB2_3-.Ltmp3, $4  }
0x58: {  	s17 =	sand.u32 $0x1F0, s20  }
0x59: {  	v2 =	vor.u32 s17, v0;
	v1 =	vld [tilespmem:s17+$0x500]  }
0x5a: {  	p3 =	seq.s32 s16, s14  }
0x5b: {  	s16 =	smov.u32 s20;
	s18 =	smov.u32 s21;
	s19 =	spop (v2sf)  }
0x5c: {  	s14 =	smov.u32 @p3 s19;
	s18 =	spop (v2sf)  }
0x5d: {  	vm1 =	veq.s32 v2, s16;
	s14 =	sadd.s32 $0xFFFFFFFF, s14;
	s15 =	smov.u32 @p3 s18  }
0x5e: {  	v1 =	vsel vm1, s15, v1;
	p2 =	sgt.s32 s14, $0x0  }
0x5f: {  	[tilespmem:s17+$0x500] =	vst v1;
	s14 =	simm.s32 @!p2 $0x0  }
0x60: {  	v1 =	vld [tilespmem:s14+$0x0]  }
0x61: {  	v2 =	vld [tilespmem:s14+$0x280];
	_ =	sdelay $0x3  }
0x62: {  	(v2sf) =	vpush v1, $0x0  }
0x63: {  	(v2sf) =	vpush v2, $0x0;
	_ =	sdelay $0xc  }
0x64: {  	[hbm4b:s2+s3] =	stream.linear.scatter [tilespmem:s12], [sflag:$0x2], $0x200, $0x38;
	[tilespmem:$0x2780] =	vst v63  }
.Ltmp4:
0x65: {  	s30 =	spop (v2sf);
	(pc) =	sbr.rel .LBB2_5-.Ltmp4, $4  }
0x66: {  	s31 =	spop (v2sf)  }
0x67: {  	_ =	swait.ge [sflag:s10], $0x200  }
0x68: {  	[sflag:s10] =	ssyncset.done $0x0  }
0x69: {  	[sflag:s10] =	ssyncadd.s32 $0xFFFFFE00  }
.LBB2_6:
0x6a: {  	_ =	sfence.sel $0x180000  }
0x6b: {  	[bflag:$0x0] =	sbarrier.arrive $0xFFFF  }
0x6c: {  	p0 =	sne.s32 s4, $0x0;
	_ =	strace $0x90000047  }
0x6d: {  	s0 =	sadd.s32 @!p0 $0x100000, s0;
	[bflag:$0x2] =	sbarrier.arrive $0xFFFF  }
0x6e: {  	[sflag:s0] =	ssyncadd.tile.s32 @!p0 $0x1;
	_ =	shalt  }
.Lfunc_end2:
_tile_overlayer_lowered:
.L_overlay_start_2:
0x6f: {  	(tag) =	ssettag $0x2  }
0x70: {  	s0 =	rddreg [dreg:$0x0];
	s2 =	stileid.u32  }
0x71: {  	s1 =	rddreg [dreg:$0x1];
	p0 =	sne.s32 s2, $0x0  }
0x72: {  	s3 =	rddreg [dreg:$0x2];
	[bflag:$0x3] =	sbarrier.arrive $0xFFFF;
	s2 =	simm.s32 @!p0 $0x1C02  }
0x73: {  	[timem:s3], [sflag:s2] =	dma.local @!p0 [hbm:s0], s1  }
0x74: {  	s0 =	simm.s32 @!p0 $0x2  }
0x75: {  	_ =	swait.ge @!p0 [sflag:s0], s1  }
0x76: {  	s1 =	ssub.s32 @!p0 $0x0, s1;
	[sflag:s0] =	ssyncset.done @!p0 $0x0  }
0x77: {  	[sflag:s0] =	ssyncadd.s32 @!p0 s1  }
0x78: {  	[bflag:$0x3] =	sbarrier.arrive $0xFFFF  }
0x79: {  	_ =	shalt  }

</sc_bundles>
